<compile_context>
chip_gen: v7x
topology: tpu7x:2x2x1
jax: 0.10.2.dev20260603
libtpu: 0.0.44.dev20260713+nightly
codegen_flags: <defaults>
</compile_context>

<pallas_src>
import functools

import numpy as np
import jax
import jax.numpy as jnp
from jax import lax
from jax.experimental import pallas as pl
from jax.experimental.pallas import tpu as pltpu, tpu_sc as plsc

_NC = 2
_NS = 16
_NW = _NC * _NS
_CH = 2


def _pos_table(seq_len, d):
    j = np.arange(d // 2, dtype=np.float64)
    units = 10000.0 ** (2.0 * j / d)
    p = np.arange(seq_len, dtype=np.float64)[:, None]
    angle = p / units[None, :]
    pos = np.zeros((seq_len, d), dtype=np.float64)
    pos[:, 0::2] = np.sin(angle)
    pos[:, 1::2] = np.cos(angle)
    return jnp.asarray(pos, dtype=jnp.float32)


@functools.lru_cache(maxsize=None)
def _make_sc_kernel(B, S, D):
    assert B % (_NW * _CH) == 0 and D % 16 == 0 and S % 8 == 0
    n_seq_w = B // _NW
    n_chunk = n_seq_w // _CH
    g0 = min(128, S) // 8 * 8
    pieces = [(0, g0)]
    if g0 < S:
        pieces.append((g0, S - g0))
    mesh = plsc.VectorSubcoreMesh(core_axis_name="c", subcore_axis_name="s")

    @functools.partial(
        pl.kernel,
        out_type=jax.ShapeDtypeStruct((B, S, D), jnp.float32),
        mesh=mesh,
        compiler_params=pltpu.CompilerParams(use_tc_tiling_on_sc=False),
        scratch_types=[
            pltpu.VMEM((n_seq_w, S), jnp.int32),
            pltpu.VMEM((2, _CH, S, D), jnp.float32),
            pltpu.VMEM((S, D), jnp.float32),
            pltpu.SemaphoreType.DMA,
            pltpu.SemaphoreType.DMA,
        ],
    )
    def k(x_hbm, table_hbm, pos_hbm, out_hbm, idx_v, rows_v, pos_v,
          sem_g, sem_s):
        wid = lax.axis_index("s") * _NC + lax.axis_index("c")
        seq0 = wid * n_seq_w
        pltpu.sync_copy(x_hbm.at[pl.ds(seq0, n_seq_w)], idx_v)
        pltpu.sync_copy(pos_hbm, pos_v)

        def fire_gather(c, b):
            for s_off in range(_CH):
                for o, n in pieces:
                    pltpu.async_copy(
                        table_hbm.at[idx_v.at[c * _CH + s_off, pl.ds(o, n)]],
                        rows_v.at[b, s_off, pl.ds(o, n)],
                        sem_g,
                    )

        def wait_gather():
            for s_off in range(_CH):
                for o, n in pieces:
                    pltpu.make_async_copy(
                        table_hbm.at[idx_v.at[0, pl.ds(o, n)]],
                        rows_v.at[0, s_off, pl.ds(o, n)],
                        sem_g,
                    ).wait()

        def add_pos(b):
            for s_off in range(_CH):
                @plsc.parallel_loop(0, S, unroll=2)
                def _(r):
                    for dd in range(D // 16):
                        sl = pl.ds(dd * 16, 16)
                        rows_v[b, s_off, r, sl] = (
                            rows_v[b, s_off, r, sl] + pos_v[r, sl]
                        )

        def fire_store(c, b):
            pltpu.async_copy(
                rows_v.at[b],
                out_hbm.at[pl.ds(seq0 + c * _CH, _CH)],
                sem_s,
            )

        def wait_store():
            pltpu.make_async_copy(
                rows_v.at[0],
                out_hbm.at[pl.ds(0, _CH)],
                sem_s,
            ).wait()

        def body(c, _):
            b = c % 2
            @pl.when(c >= 2)
            def _():
                wait_store()

            @pl.when(c < n_chunk)
            def _():
                fire_gather(c, b)

            @pl.when(c >= 1)
            def _():
                wait_gather()
                add_pos(1 - b)
                fire_store(c - 1, 1 - b)

            return 0

        lax.fori_loop(0, n_chunk + 1, body, 0)
        wait_store()

    return k


def kernel(x, table):
    B, S = x.shape
    D = table.shape[1]
    pos = _pos_table(S, D)
    return _make_sc_kernel(B, S, D)(x.astype(jnp.int32), table, pos)

# --- scband reference (transcript-rebuilt; emitter-appended) ---
"""Pipeline reference for scband-embedding-block-6700148981785 (READ-ONLY COPY).

The authoritative reference and input builder live on the scoring server;
editing this copy changes nothing except your own understanding.
"""

import jax, jax.numpy as jnp
import numpy as np

MAX_SEQ_LEN = 512
EMBED_DIM = 64
NUM_EMBEDDINGS = 1000000


def _make_pos(max_seq_len, d):
    # pos_units[j] = 10000 ** (2*j/d) for j in range(d//2)
    j = np.arange(d // 2, dtype=np.float64)
    units = 10000.0 ** (2.0 * j / d)
    p = np.arange(max_seq_len, dtype=np.float64)[:, None]
    angle = p / units[None, :]
    pos = np.zeros((max_seq_len, d), dtype=np.float64)
    pos[:, 0::2] = np.sin(angle)
    pos[:, 1::2] = np.cos(angle)
    return jnp.asarray(pos, dtype=jnp.float32)


def setup_inputs(seed: int = 0) -> dict:
    key = jax.random.key(seed)
    k_idx, k_tab = jax.random.split(key)
    x = jax.random.randint(k_idx, (4096, 200), 0, NUM_EMBEDDINGS, dtype=jnp.int64 if jax.config.jax_enable_x64 else jnp.int32)
    # nn.Embedding default init: N(0, 1)
    table = jax.random.normal(k_tab, (NUM_EMBEDDINGS, EMBED_DIM), dtype=jnp.float32)
    return {"x": x, "table": table}


def reference(x, table):
    pos = _make_pos(MAX_SEQ_LEN, EMBED_DIM)
    out = jnp.take(table, x, axis=0)  # (B, S, D) embedding gather
    seq_len = x.shape[1]
    out = out + pos[:seq_len, :][None, :, :]
    return out

if __name__ == "__main__":
    import jax
    _d = setup_inputs()
    print(jax.jit(kernel)(*tuple(_d.values())))

</pallas_src>

<mosaic_0001>
#map = affine_map<(d0, d1) -> (0, 0)>
#map1 = affine_map<(d0, d1) -> (0, 0, 0)>
module attributes {stable_mosaic.version = 14 : i64} {
  func.func @k(%arg0: i32, %arg1: i32, %arg2: memref<4096x200xi32, #tpu.memory_space<hbm>>, %arg3: memref<1000000x64xf32, #tpu.memory_space<hbm>>, %arg4: memref<200x64xf32, #tpu.memory_space<hbm>>, %arg5: memref<4096x200x64xf32, #tpu.memory_space<hbm>>, %arg6: memref<128x200xi32, #tpu.memory_space<vmem>>, %arg7: memref<2x2x200x64xf32, #tpu.memory_space<vmem>>, %arg8: memref<200x64xf32, #tpu.memory_space<vmem>>, %arg9: memref<!tpu.dma_semaphore, #tpu.memory_space<semaphore_mem>>, %arg10: memref<!tpu.dma_semaphore, #tpu.memory_space<semaphore_mem>>) attributes {dimension_semantics = [#tpu.dimension_semantics<core_parallel>, #tpu.dimension_semantics<subcore_parallel>], iteration_bounds = array<i64: 2, 16>, scalar_prefetch = 0 : i64, scratch_operands = 5 : i64, tpu.core_type = #tpu.core_type<sc_vector_subcore>, window_params = [{transform_indices = #map}, {transform_indices = #map}, {transform_indices = #map}, {transform_indices = #map1}]} {
    %mul3A = arith.constant 2 : i32
    %mul3A_0 = arith.muli %arg1, %mul3A : i32
    %add3A = arith.addi %mul3A_0, %arg0 : i32
    %mul3A_1 = arith.constant 128 : i32
    %mul3A_2 = arith.muli %add3A, %mul3A_1 : i32
    "tpu.region"() ({
      %run_scoped3A = tpu.sem_alloc : memref<!tpu.dma_semaphore, #tpu.memory_space<semaphore_mem>>
      %dma_start3A = arith.constant 0 : i32
      %dma_start3A_27 = tpu.memref_slice %arg2[%mul3A_2, %dma_start3A] : memref<4096x200xi32, #tpu.memory_space<hbm>> -> memref<128x200xi32, #tpu.memory_space<hbm>>
      %dma_start3A_28 = arith.constant 0 : i32
      %dma_start3A_29 = tpu.memref_slice %arg2[%mul3A_2, %dma_start3A_28] : memref<4096x200xi32, #tpu.memory_space<hbm>> -> memref<128x200xi32, #tpu.memory_space<hbm>>
      tpu.enqueue_dma source(%dma_start3A_29 : memref<128x200xi32, #tpu.memory_space<hbm>>) target(%arg6 : memref<128x200xi32, #tpu.memory_space<vmem>>) target_semaphore(%run_scoped3A : memref<!tpu.dma_semaphore, #tpu.memory_space<semaphore_mem>>)
      %dma_wait3A_30 = arith.constant 0 : i32
      %dma_wait3A_31 = tpu.memref_slice %arg2[%mul3A_2, %dma_wait3A_30] : memref<4096x200xi32, #tpu.memory_space<hbm>> -> memref<128x200xi32, #tpu.memory_space<hbm>>
      %dma_wait3A_32 = arith.constant 0 : i32
      %dma_wait3A_33 = tpu.memref_slice %arg2[%mul3A_2, %dma_wait3A_32] : memref<4096x200xi32, #tpu.memory_space<hbm>> -> memref<128x200xi32, #tpu.memory_space<hbm>>
      tpu.wait_dma2 semaphore(%run_scoped3A : memref<!tpu.dma_semaphore, #tpu.memory_space<semaphore_mem>>) src(%dma_wait3A_33 : memref<128x200xi32, #tpu.memory_space<hbm>>) dst(%arg6 : memref<128x200xi32, #tpu.memory_space<vmem>>)
      tpu.yield
    }) : () -> ()
    "tpu.region"() ({
      %run_scoped3A = tpu.sem_alloc : memref<!tpu.dma_semaphore, #tpu.memory_space<semaphore_mem>>
      tpu.enqueue_dma source(%arg4 : memref<200x64xf32, #tpu.memory_space<hbm>>) target(%arg8 : memref<200x64xf32, #tpu.memory_space<vmem>>) target_semaphore(%run_scoped3A : memref<!tpu.dma_semaphore, #tpu.memory_space<semaphore_mem>>)
      tpu.wait_dma2 semaphore(%run_scoped3A : memref<!tpu.dma_semaphore, #tpu.memory_space<semaphore_mem>>) src(%arg4 : memref<200x64xf32, #tpu.memory_space<hbm>>) dst(%arg8 : memref<200x64xf32, #tpu.memory_space<vmem>>)
      tpu.yield
    }) : () -> ()
    %scan3A = arith.constant 0 : i32
    %scan3A_3 = arith.constant 0 : i32
    %scan3A_4 = arith.constant 65 : i32
    %scan3A_5 = arith.addi %scan3A_3, %scan3A_4 : i32
    %scan3A_6 = arith.constant 1 : i32
    %scan3A_7 = scf.for %scan3A_27 = %scan3A_3 to %scan3A_5 step %scan3A_6 iter_args(%scan3A_28 = %scan3A) -> (i32)  : i32 {
      %jit3A = arith.constant 2 : i32
      %eq3A = arith.constant 0 : i32
      %eq3A_29 = arith.cmpi eq, %jit3A, %eq3A : i32
      %jit3A_30 = arith.constant 1 : i32
      %select_n3A = arith.select %eq3A_29, %jit3A_30, %jit3A : i32
      %rem3A = arith.remsi %scan3A_27, %select_n3A : i32
      %ne3A = arith.constant 0 : i32
      %ne3A_31 = arith.cmpi ne, %rem3A, %ne3A : i32
      %lt3A = arith.constant 0 : i32
      %lt3A_32 = arith.cmpi slt, %rem3A, %lt3A : i32
      %lt3A_33 = arith.constant 0 : i32
      %lt3A_34 = arith.cmpi slt, %select_n3A, %lt3A_33 : i32
      %ne3A_35 = arith.xori %lt3A_32, %lt3A_34 : i1
      %and3A = arith.andi %ne3A_35, %ne3A_31 : i1
      %add3A_36 = arith.addi %rem3A, %select_n3A : i32
      %select_n3A_37 = arith.select %and3A, %add3A_36, %rem3A : i32
      %ge3A = arith.constant 2 : i32
      %ge3A_38 = arith.cmpi sge, %scan3A_27, %ge3A : i32
      %convert_element_type3A = arith.extui %ge3A_38 : i1 to i32
      %cond3A = arith.constant 0 : i32
      %cond3A_39 = arith.cmpi ne, %convert_element_type3A, %cond3A : i32
      scf.if %cond3A_39 {
        %dma_wait3A_51 = arith.constant 0 : i32
        %dma_wait3A_52 = arith.constant 0 : i32
        %dma_wait3A_53 = arith.constant 0 : i32
        %dma_wait3A_54 = arith.constant 0 : i32
        %dma_wait3A_55 = tpu.memref_slice %arg7[%dma_wait3A_51, %dma_wait3A_52, %dma_wait3A_53, %dma_wait3A_54] : memref<2x2x200x64xf32, #tpu.memory_space<vmem>> -> memref<1x2x200x64xf32, #tpu.memory_space<vmem>>
        %dma_wait3A_56 = tpu.memref_squeeze %dma_wait3A_55 : memref<1x2x200x64xf32, #tpu.memory_space<vmem>> -> memref<2x200x64xf32, #tpu.memory_space<vmem>>
        %dma_wait3A_57 = arith.constant 0 : i32
        %dma_wait3A_58 = arith.constant 0 : i32
        %dma_wait3A_59 = arith.constant 0 : i32
        %dma_wait3A_60 = tpu.memref_slice %arg5[%dma_wait3A_57, %dma_wait3A_58, %dma_wait3A_59] : memref<4096x200x64xf32, #tpu.memory_space<hbm>> -> memref<2x200x64xf32, #tpu.memory_space<hbm>>
        %dma_wait3A_61 = arith.constant 0 : i32
        %dma_wait3A_62 = arith.constant 0 : i32
        %dma_wait3A_63 = arith.constant 0 : i32
        %dma_wait3A_64 = tpu.memref_slice %arg5[%dma_wait3A_61, %dma_wait3A_62, %dma_wait3A_63] : memref<4096x200x64xf32, #tpu.memory_space<hbm>> -> memref<2x200x64xf32, #tpu.memory_space<hbm>>
        %dma_wait3A_65 = arith.constant 0 : i32
        %dma_wait3A_66 = arith.constant 0 : i32
        %dma_wait3A_67 = arith.constant 0 : i32
        %dma_wait3A_68 = tpu.memref_slice %arg7[%dma_wait3A_51, %dma_wait3A_65, %dma_wait3A_66, %dma_wait3A_67] : memref<2x2x200x64xf32, #tpu.memory_space<vmem>> -> memref<1x2x200x64xf32, #tpu.memory_space<vmem>>
        %dma_wait3A_69 = tpu.memref_squeeze %dma_wait3A_68 : memref<1x2x200x64xf32, #tpu.memory_space<vmem>> -> memref<2x200x64xf32, #tpu.memory_space<vmem>>
        tpu.wait_dma2 semaphore(%arg10 : memref<!tpu.dma_semaphore, #tpu.memory_space<semaphore_mem>>) src(%dma_wait3A_69 : memref<2x200x64xf32, #tpu.memory_space<vmem>>) dst(%dma_wait3A_64 : memref<2x200x64xf32, #tpu.memory_space<hbm>>)
      } else {
      }
      %lt3A_40 = arith.constant 64 : i32
      %lt3A_41 = arith.cmpi slt, %scan3A_27, %lt3A_40 : i32
      %convert_element_type3A_42 = arith.extui %lt3A_41 : i1 to i32
      %cond3A_43 = arith.constant 0 : i32
      %cond3A_44 = arith.cmpi ne, %convert_element_type3A_42, %cond3A_43 : i32
      scf.if %cond3A_44 {
        %mul3A_51 = arith.constant 2 : i32
        %mul3A_52 = arith.muli %scan3A_27, %mul3A_51 : i32
        %add3A_53 = arith.constant 0 : i32
        %add3A_54 = arith.addi %mul3A_52, %add3A_53 : i32
        %dma_start3A = arith.constant 0 : i32
        %dma_start3A_55 = arith.constant 0 : i32
        %dma_start3A_56 = arith.constant 0 : i32
        %dma_start3A_57 = tpu.memref_slice %arg7[%select_n3A_37, %dma_start3A, %dma_start3A_55, %dma_start3A_56] : memref<2x2x200x64xf32, #tpu.memory_space<vmem>> -> memref<1x1x128x64xf32, #tpu.memory_space<vmem>>
        %dma_start3A_58 = tpu.memref_squeeze %dma_start3A_57 : memref<1x1x128x64xf32, #tpu.memory_space<vmem>> -> memref<128x64xf32, #tpu.memory_space<vmem>>
        %dma_start3A_59 = arith.constant 0 : i32
        %dma_start3A_60 = tpu.memref_slice %arg6[%add3A_54, %dma_start3A_59] : memref<128x200xi32, #tpu.memory_space<vmem>> -> memref<1x128xi32, #tpu.memory_space<vmem>>
        %dma_start3A_61 = tpu.memref_squeeze %dma_start3A_60 : memref<1x128xi32, #tpu.memory_space<vmem>> -> memref<128xi32, #tpu.memory_space<vmem>>
        %dma_start3A_62 = arith.constant 0 : i32
        %dma_start3A_63 = arith.constant 0 : i32
        %dma_start3A_64 = tpu.memref_slice %arg3[%dma_start3A_62, %dma_start3A_63] : memref<1000000x64xf32, #tpu.memory_space<hbm>> -> memref<1000000x64xf32, #tpu.memory_space<hbm>>
        tpu.enqueue_indirect_dma source(%dma_start3A_64 : memref<1000000x64xf32, #tpu.memory_space<hbm>>) target(%dma_start3A_58 : memref<128x64xf32, #tpu.memory_space<vmem>>) offsets(%dma_start3A_61 : memref<128xi32, #tpu.memory_space<vmem>>) semaphore(%arg9 : memref<!tpu.dma_semaphore, #tpu.memory_space<semaphore_mem>>)
        %mul3A_65 = arith.constant 2 : i32
        %mul3A_66 = arith.muli %scan3A_27, %mul3A_65 : i32
        %add3A_67 = arith.constant 0 : i32
        %add3A_68 = arith.addi %mul3A_66, %add3A_67 : i32
        %dma_start3A_69 = arith.constant 0 : i32
        %dma_start3A_70 = arith.constant 128 : i32
        %dma_start3A_71 = arith.constant 0 : i32
        %dma_start3A_72 = tpu.memref_slice %arg7[%select_n3A_37, %dma_start3A_69, %dma_start3A_70, %dma_start3A_71] : memref<2x2x200x64xf32, #tpu.memory_space<vmem>> -> memref<1x1x72x64xf32, #tpu.memory_space<vmem>>
        %dma_start3A_73 = tpu.memref_squeeze %dma_start3A_72 : memref<1x1x72x64xf32, #tpu.memory_space<vmem>> -> memref<72x64xf32, #tpu.memory_space<vmem>>
        %dma_start3A_74 = arith.constant 128 : i32
        %dma_start3A_75 = tpu.memref_slice %arg6[%add3A_68, %dma_start3A_74] : memref<128x200xi32, #tpu.memory_space<vmem>> -> memref<1x72xi32, #tpu.memory_space<vmem>>
        %dma_start3A_76 = tpu.memref_squeeze %dma_start3A_75 : memref<1x72xi32, #tpu.memory_space<vmem>> -> memref<72xi32, #tpu.memory_space<vmem>>
        %dma_start3A_77 = arith.constant 0 : i32
        %dma_start3A_78 = arith.constant 0 : i32
        %dma_start3A_79 = tpu.memref_slice %arg3[%dma_start3A_77, %dma_start3A_78] : memref<1000000x64xf32, #tpu.memory_space<hbm>> -> memref<1000000x64xf32, #tpu.memory_space<hbm>>
        tpu.enqueue_indirect_dma source(%dma_start3A_79 : memref<1000000x64xf32, #tpu.memory_space<hbm>>) target(%dma_start3A_73 : memref<72x64xf32, #tpu.memory_space<vmem>>) offsets(%dma_start3A_76 : memref<72xi32, #tpu.memory_space<vmem>>) semaphore(%arg9 : memref<!tpu.dma_semaphore, #tpu.memory_space<semaphore_mem>>)
        %mul3A_80 = arith.constant 2 : i32
        %mul3A_81 = arith.muli %scan3A_27, %mul3A_80 : i32
        %add3A_82 = arith.constant 1 : i32
        %add3A_83 = arith.addi %mul3A_81, %add3A_82 : i32
        %dma_start3A_84 = arith.constant 1 : i32
        %dma_start3A_85 = arith.constant 0 : i32
        %dma_start3A_86 = arith.constant 0 : i32
        %dma_start3A_87 = tpu.memref_slice %arg7[%select_n3A_37, %dma_start3A_84, %dma_start3A_85, %dma_start3A_86] : memref<2x2x200x64xf32, #tpu.memory_space<vmem>> -> memref<1x1x128x64xf32, #tpu.memory_space<vmem>>
        %dma_start3A_88 = tpu.memref_squeeze %dma_start3A_87 : memref<1x1x128x64xf32, #tpu.memory_space<vmem>> -> memref<128x64xf32, #tpu.memory_space<vmem>>
        %dma_start3A_89 = arith.constant 0 : i32
        %dma_start3A_90 = tpu.memref_slice %arg6[%add3A_83, %dma_start3A_89] : memref<128x200xi32, #tpu.memory_space<vmem>> -> memref<1x128xi32, #tpu.memory_space<vmem>>
        %dma_start3A_91 = tpu.memref_squeeze %dma_start3A_90 : memref<1x128xi32, #tpu.memory_space<vmem>> -> memref<128xi32, #tpu.memory_space<vmem>>
        %dma_start3A_92 = arith.constant 0 : i32
        %dma_start3A_93 = arith.constant 0 : i32
        %dma_start3A_94 = tpu.memref_slice %arg3[%dma_start3A_92, %dma_start3A_93] : memref<1000000x64xf32, #tpu.memory_space<hbm>> -> memref<1000000x64xf32, #tpu.memory_space<hbm>>
        tpu.enqueue_indirect_dma source(%dma_start3A_94 : memref<1000000x64xf32, #tpu.memory_space<hbm>>) target(%dma_start3A_88 : memref<128x64xf32, #tpu.memory_space<vmem>>) offsets(%dma_start3A_91 : memref<128xi32, #tpu.memory_space<vmem>>) semaphore(%arg9 : memref<!tpu.dma_semaphore, #tpu.memory_space<semaphore_mem>>)
        %mul3A_95 = arith.constant 2 : i32
        %mul3A_96 = arith.muli %scan3A_27, %mul3A_95 : i32
        %add3A_97 = arith.constant 1 : i32
        %add3A_98 = arith.addi %mul3A_96, %add3A_97 : i32
        %dma_start3A_99 = arith.constant 1 : i32
        %dma_start3A_100 = arith.constant 128 : i32
        %dma_start3A_101 = arith.constant 0 : i32
        %dma_start3A_102 = tpu.memref_slice %arg7[%select_n3A_37, %dma_start3A_99, %dma_start3A_100, %dma_start3A_101] : memref<2x2x200x64xf32, #tpu.memory_space<vmem>> -> memref<1x1x72x64xf32, #tpu.memory_space<vmem>>
        %dma_start3A_103 = tpu.memref_squeeze %dma_start3A_102 : memref<1x1x72x64xf32, #tpu.memory_space<vmem>> -> memref<72x64xf32, #tpu.memory_space<vmem>>
        %dma_start3A_104 = arith.constant 128 : i32
        %dma_start3A_105 = tpu.memref_slice %arg6[%add3A_98, %dma_start3A_104] : memref<128x200xi32, #tpu.memory_space<vmem>> -> memref<1x72xi32, #tpu.memory_space<vmem>>
        %dma_start3A_106 = tpu.memref_squeeze %dma_start3A_105 : memref<1x72xi32, #tpu.memory_space<vmem>> -> memref<72xi32, #tpu.memory_space<vmem>>
        %dma_start3A_107 = arith.constant 0 : i32
        %dma_start3A_108 = arith.constant 0 : i32
        %dma_start3A_109 = tpu.memref_slice %arg3[%dma_start3A_107, %dma_start3A_108] : memref<1000000x64xf32, #tpu.memory_space<hbm>> -> memref<1000000x64xf32, #tpu.memory_space<hbm>>
        tpu.enqueue_indirect_dma source(%dma_start3A_109 : memref<1000000x64xf32, #tpu.memory_space<hbm>>) target(%dma_start3A_103 : memref<72x64xf32, #tpu.memory_space<vmem>>) offsets(%dma_start3A_106 : memref<72xi32, #tpu.memory_space<vmem>>) semaphore(%arg9 : memref<!tpu.dma_semaphore, #tpu.memory_space<semaphore_mem>>)
      } else {
      }
      %ge3A_45 = arith.constant 1 : i32
      %ge3A_46 = arith.cmpi sge, %scan3A_27, %ge3A_45 : i32
      %convert_element_type3A_47 = arith.extui %ge3A_46 : i1 to i32
      %cond3A_48 = arith.constant 0 : i32
      %cond3A_49 = arith.cmpi ne, %convert_element_type3A_47, %cond3A_48 : i32
      scf.if %cond3A_49 {
        %dma_wait3A_51 = arith.constant 0 : i32
        %dma_wait3A_52 = arith.constant 0 : i32
        %dma_wait3A_53 = arith.constant 0 : i32
        %dma_wait3A_54 = arith.constant 0 : i32
        %dma_wait3A_55 = arith.constant 0 : i32
        %dma_wait3A_56 = tpu.memref_slice %arg7[%dma_wait3A_52, %dma_wait3A_53, %dma_wait3A_54, %dma_wait3A_55] : memref<2x2x200x64xf32, #tpu.memory_space<vmem>> -> memref<1x1x128x64xf32, #tpu.memory_space<vmem>>
        %dma_wait3A_57 = tpu.memref_squeeze %dma_wait3A_56 : memref<1x1x128x64xf32, #tpu.memory_space<vmem>> -> memref<128x64xf32, #tpu.memory_space<vmem>>
        %dma_wait3A_58 = arith.constant 0 : i32
        %dma_wait3A_59 = tpu.memref_slice %arg6[%dma_wait3A_51, %dma_wait3A_58] : memref<128x200xi32, #tpu.memory_space<vmem>> -> memref<1x128xi32, #tpu.memory_space<vmem>>
        %dma_wait3A_60 = tpu.memref_squeeze %dma_wait3A_59 : memref<1x128xi32, #tpu.memory_space<vmem>> -> memref<128xi32, #tpu.memory_space<vmem>>
        %dma_wait3A_61 = arith.constant 0 : i32
        %dma_wait3A_62 = arith.constant 0 : i32
        %dma_wait3A_63 = tpu.memref_slice %arg3[%dma_wait3A_61, %dma_wait3A_62] : memref<1000000x64xf32, #tpu.memory_space<hbm>> -> memref<1000000x64xf32, #tpu.memory_space<hbm>>
        tpu.wait_indirect_dma semaphore(%arg9 : memref<!tpu.dma_semaphore, #tpu.memory_space<semaphore_mem>>) src(%dma_wait3A_63 : memref<1000000x64xf32, #tpu.memory_space<hbm>>) dst(%dma_wait3A_57 : memref<128x64xf32, #tpu.memory_space<vmem>>)
        %dma_wait3A_64 = arith.constant 0 : i32
        %dma_wait3A_65 = arith.constant 0 : i32
        %dma_wait3A_66 = arith.constant 0 : i32
        %dma_wait3A_67 = arith.constant 128 : i32
        %dma_wait3A_68 = arith.constant 0 : i32
        %dma_wait3A_69 = tpu.memref_slice %arg7[%dma_wait3A_65, %dma_wait3A_66, %dma_wait3A_67, %dma_wait3A_68] : memref<2x2x200x64xf32, #tpu.memory_space<vmem>> -> memref<1x1x72x64xf32, #tpu.memory_space<vmem>>
        %dma_wait3A_70 = tpu.memref_squeeze %dma_wait3A_69 : memref<1x1x72x64xf32, #tpu.memory_space<vmem>> -> memref<72x64xf32, #tpu.memory_space<vmem>>
        %dma_wait3A_71 = arith.constant 128 : i32
        %dma_wait3A_72 = tpu.memref_slice %arg6[%dma_wait3A_64, %dma_wait3A_71] : memref<128x200xi32, #tpu.memory_space<vmem>> -> memref<1x72xi32, #tpu.memory_space<vmem>>
        %dma_wait3A_73 = tpu.memref_squeeze %dma_wait3A_72 : memref<1x72xi32, #tpu.memory_space<vmem>> -> memref<72xi32, #tpu.memory_space<vmem>>
        %dma_wait3A_74 = arith.constant 0 : i32
        %dma_wait3A_75 = arith.constant 0 : i32
        %dma_wait3A_76 = tpu.memref_slice %arg3[%dma_wait3A_74, %dma_wait3A_75] : memref<1000000x64xf32, #tpu.memory_space<hbm>> -> memref<1000000x64xf32, #tpu.memory_space<hbm>>
        tpu.wait_indirect_dma semaphore(%arg9 : memref<!tpu.dma_semaphore, #tpu.memory_space<semaphore_mem>>) src(%dma_wait3A_76 : memref<1000000x64xf32, #tpu.memory_space<hbm>>) dst(%dma_wait3A_70 : memref<72x64xf32, #tpu.memory_space<vmem>>)
        %dma_wait3A_77 = arith.constant 0 : i32
        %dma_wait3A_78 = arith.constant 0 : i32
        %dma_wait3A_79 = arith.constant 1 : i32
        %dma_wait3A_80 = arith.constant 0 : i32
        %dma_wait3A_81 = arith.constant 0 : i32
        %dma_wait3A_82 = tpu.memref_slice %arg7[%dma_wait3A_78, %dma_wait3A_79, %dma_wait3A_80, %dma_wait3A_81] : memref<2x2x200x64xf32, #tpu.memory_space<vmem>> -> memref<1x1x128x64xf32, #tpu.memory_space<vmem>>
        %dma_wait3A_83 = tpu.memref_squeeze %dma_wait3A_82 : memref<1x1x128x64xf32, #tpu.memory_space<vmem>> -> memref<128x64xf32, #tpu.memory_space<vmem>>
        %dma_wait3A_84 = arith.constant 0 : i32
        %dma_wait3A_85 = tpu.memref_slice %arg6[%dma_wait3A_77, %dma_wait3A_84] : memref<128x200xi32, #tpu.memory_space<vmem>> -> memref<1x128xi32, #tpu.memory_space<vmem>>
        %dma_wait3A_86 = tpu.memref_squeeze %dma_wait3A_85 : memref<1x128xi32, #tpu.memory_space<vmem>> -> memref<128xi32, #tpu.memory_space<vmem>>
        %dma_wait3A_87 = arith.constant 0 : i32
        %dma_wait3A_88 = arith.constant 0 : i32
        %dma_wait3A_89 = tpu.memref_slice %arg3[%dma_wait3A_87, %dma_wait3A_88] : memref<1000000x64xf32, #tpu.memory_space<hbm>> -> memref<1000000x64xf32, #tpu.memory_space<hbm>>
        tpu.wait_indirect_dma semaphore(%arg9 : memref<!tpu.dma_semaphore, #tpu.memory_space<semaphore_mem>>) src(%dma_wait3A_89 : memref<1000000x64xf32, #tpu.memory_space<hbm>>) dst(%dma_wait3A_83 : memref<128x64xf32, #tpu.memory_space<vmem>>)
        %dma_wait3A_90 = arith.constant 0 : i32
        %dma_wait3A_91 = arith.constant 0 : i32
        %dma_wait3A_92 = arith.constant 1 : i32
        %dma_wait3A_93 = arith.constant 128 : i32
        %dma_wait3A_94 = arith.constant 0 : i32
        %dma_wait3A_95 = tpu.memref_slice %arg7[%dma_wait3A_91, %dma_wait3A_92, %dma_wait3A_93, %dma_wait3A_94] : memref<2x2x200x64xf32, #tpu.memory_space<vmem>> -> memref<1x1x72x64xf32, #tpu.memory_space<vmem>>
        %dma_wait3A_96 = tpu.memref_squeeze %dma_wait3A_95 : memref<1x1x72x64xf32, #tpu.memory_space<vmem>> -> memref<72x64xf32, #tpu.memory_space<vmem>>
        %dma_wait3A_97 = arith.constant 128 : i32
        %dma_wait3A_98 = tpu.memref_slice %arg6[%dma_wait3A_90, %dma_wait3A_97] : memref<128x200xi32, #tpu.memory_space<vmem>> -> memref<1x72xi32, #tpu.memory_space<vmem>>
        %dma_wait3A_99 = tpu.memref_squeeze %dma_wait3A_98 : memref<1x72xi32, #tpu.memory_space<vmem>> -> memref<72xi32, #tpu.memory_space<vmem>>
        %dma_wait3A_100 = arith.constant 0 : i32
        %dma_wait3A_101 = arith.constant 0 : i32
        %dma_wait3A_102 = tpu.memref_slice %arg3[%dma_wait3A_100, %dma_wait3A_101] : memref<1000000x64xf32, #tpu.memory_space<hbm>> -> memref<1000000x64xf32, #tpu.memory_space<hbm>>
        tpu.wait_indirect_dma semaphore(%arg9 : memref<!tpu.dma_semaphore, #tpu.memory_space<semaphore_mem>>) src(%dma_wait3A_102 : memref<1000000x64xf32, #tpu.memory_space<hbm>>) dst(%dma_wait3A_96 : memref<72x64xf32, #tpu.memory_space<vmem>>)
        %sub3A = arith.constant 1 : i32
        %sub3A_103 = arith.subi %sub3A, %select_n3A_37 : i32
        %parallel_loop3A = arith.constant 0 : i32
        %parallel_loop3A_104 = arith.constant 200 : i32
        %parallel_loop3A_105 = arith.constant 1 : i32
        scf.for %parallel_loop3A_131 = %parallel_loop3A to %parallel_loop3A_104 step %parallel_loop3A_105  : i32 {
          %parallel_loop3A_132 = arith.constant 0 : i32
          %parallel_loop3A_133 = arith.index_cast %sub3A_103 : i32 to index
          %parallel_loop3A_134 = arith.index_cast %parallel_loop3A_132 : i32 to index
          %parallel_loop3A_135 = arith.index_cast %parallel_loop3A_131 : i32 to index
          %parallel_loop3A_136 = arith.constant 0 : index
          %parallel_loop3A_137 = tpu.vector_load %arg7[%parallel_loop3A_133, %parallel_loop3A_134, %parallel_loop3A_135, %parallel_loop3A_136] {strides = array<i32>} : memref<2x2x200x64xf32, #tpu.memory_space<vmem>>, vector<1x1x1x16xf32>,
          %parallel_loop3A_138 = vector.shape_cast %parallel_loop3A_137 : vector<1x1x1x16xf32> to vector<16xf32>
          %parallel_loop3A_139 = arith.index_cast %parallel_loop3A_131 : i32 to index
          %parallel_loop3A_140 = arith.constant 0 : index
          %parallel_loop3A_141 = tpu.vector_load %arg8[%parallel_loop3A_139, %parallel_loop3A_140] {strides = array<i32>} : memref<200x64xf32, #tpu.memory_space<vmem>>, vector<1x16xf32>,
          %parallel_loop3A_142 = vector.shape_cast %parallel_loop3A_141 : vector<1x16xf32> to vector<16xf32>
          %parallel_loop3A_143 = arith.addf %parallel_loop3A_138, %parallel_loop3A_142 : vector<16xf32>
          %parallel_loop3A_144 = arith.constant 0 : i32
          %parallel_loop3A_145 = arith.index_cast %sub3A_103 : i32 to index
          %parallel_loop3A_146 = arith.index_cast %parallel_loop3A_144 : i32 to index
          %parallel_loop3A_147 = arith.index_cast %parallel_loop3A_131 : i32 to index
          %parallel_loop3A_148 = arith.constant 0 : index
          %parallel_loop3A_149 = tpu.vector_load %arg7[%parallel_loop3A_145, %parallel_loop3A_146, %parallel_loop3A_147, %parallel_loop3A_148] {strides = array<i32>} : memref<2x2x200x64xf32, #tpu.memory_space<vmem>>, vector<1x1x1x16xf32>,
          %parallel_loop3A_150 = vector.shape_cast %parallel_loop3A_149 : vector<1x1x1x16xf32> to vector<16xf32>
          %parallel_loop3A_151 = vector.shape_cast %parallel_loop3A_143 : vector<16xf32> to vector<1x1x1x16xf32>
          tpu.vector_store %arg7[%parallel_loop3A_145, %parallel_loop3A_146, %parallel_loop3A_147, %parallel_loop3A_148], %parallel_loop3A_151 {strides = array<i32>} : memref<2x2x200x64xf32, #tpu.memory_space<vmem>>, vector<1x1x1x16xf32>,
          %parallel_loop3A_152 = arith.constant 0 : i32
          %parallel_loop3A_153 = arith.index_cast %sub3A_103 : i32 to index
          %parallel_loop3A_154 = arith.index_cast %parallel_loop3A_152 : i32 to index
          %parallel_loop3A_155 = arith.index_cast %parallel_loop3A_131 : i32 to index
          %parallel_loop3A_156 = arith.constant 16 : index
          %parallel_loop3A_157 = tpu.vector_load %arg7[%parallel_loop3A_153, %parallel_loop3A_154, %parallel_loop3A_155, %parallel_loop3A_156] {strides = array<i32>} : memref<2x2x200x64xf32, #tpu.memory_space<vmem>>, vector<1x1x1x16xf32>,
          %parallel_loop3A_158 = vector.shape_cast %parallel_loop3A_157 : vector<1x1x1x16xf32> to vector<16xf32>
          %parallel_loop3A_159 = arith.index_cast %parallel_loop3A_131 : i32 to index
          %parallel_loop3A_160 = arith.constant 16 : index
          %parallel_loop3A_161 = tpu.vector_load %arg8[%parallel_loop3A_159, %parallel_loop3A_160] {strides = array<i32>} : memref<200x64xf32, #tpu.memory_space<vmem>>, vector<1x16xf32>,
          %parallel_loop3A_162 = vector.shape_cast %parallel_loop3A_161 : vector<1x16xf32> to vector<16xf32>
          %parallel_loop3A_163 = arith.addf %parallel_loop3A_158, %parallel_loop3A_162 : vector<16xf32>
          %parallel_loop3A_164 = arith.constant 0 : i32
          %parallel_loop3A_165 = arith.index_cast %sub3A_103 : i32 to index
          %parallel_loop3A_166 = arith.index_cast %parallel_loop3A_164 : i32 to index
          %parallel_loop3A_167 = arith.index_cast %parallel_loop3A_131 : i32 to index
          %parallel_loop3A_168 = arith.constant 16 : index
          %parallel_loop3A_169 = tpu.vector_load %arg7[%parallel_loop3A_165, %parallel_loop3A_166, %parallel_loop3A_167, %parallel_loop3A_168] {strides = array<i32>} : memref<2x2x200x64xf32, #tpu.memory_space<vmem>>, vector<1x1x1x16xf32>,
          %parallel_loop3A_170 = vector.shape_cast %parallel_loop3A_169 : vector<1x1x1x16xf32> to vector<16xf32>
          %parallel_loop3A_171 = vector.shape_cast %parallel_loop3A_163 : vector<16xf32> to vector<1x1x1x16xf32>
          tpu.vector_store %arg7[%parallel_loop3A_165, %parallel_loop3A_166, %parallel_loop3A_167, %parallel_loop3A_168], %parallel_loop3A_171 {strides = array<i32>} : memref<2x2x200x64xf32, #tpu.memory_space<vmem>>, vector<1x1x1x16xf32>,
          %parallel_loop3A_172 = arith.constant 0 : i32
          %parallel_loop3A_173 = arith.index_cast %sub3A_103 : i32 to index
          %parallel_loop3A_174 = arith.index_cast %parallel_loop3A_172 : i32 to index
          %parallel_loop3A_175 = arith.index_cast %parallel_loop3A_131 : i32 to index
          %parallel_loop3A_176 = arith.constant 32 : index
          %parallel_loop3A_177 = tpu.vector_load %arg7[%parallel_loop3A_173, %parallel_loop3A_174, %parallel_loop3A_175, %parallel_loop3A_176] {strides = array<i32>} : memref<2x2x200x64xf32, #tpu.memory_space<vmem>>, vector<1x1x1x16xf32>,
          %parallel_loop3A_178 = vector.shape_cast %parallel_loop3A_177 : vector<1x1x1x16xf32> to vector<16xf32>
          %parallel_loop3A_179 = arith.index_cast %parallel_loop3A_131 : i32 to index
          %parallel_loop3A_180 = arith.constant 32 : index
          %parallel_loop3A_181 = tpu.vector_load %arg8[%parallel_loop3A_179, %parallel_loop3A_180] {strides = array<i32>} : memref<200x64xf32, #tpu.memory_space<vmem>>, vector<1x16xf32>,
          %parallel_loop3A_182 = vector.shape_cast %parallel_loop3A_181 : vector<1x16xf32> to vector<16xf32>
          %parallel_loop3A_183 = arith.addf %parallel_loop3A_178, %parallel_loop3A_182 : vector<16xf32>
          %parallel_loop3A_184 = arith.constant 0 : i32
          %parallel_loop3A_185 = arith.index_cast %sub3A_103 : i32 to index
          %parallel_loop3A_186 = arith.index_cast %parallel_loop3A_184 : i32 to index
          %parallel_loop3A_187 = arith.index_cast %parallel_loop3A_131 : i32 to index
          %parallel_loop3A_188 = arith.constant 32 : index
          %parallel_loop3A_189 = tpu.vector_load %arg7[%parallel_loop3A_185, %parallel_loop3A_186, %parallel_loop3A_187, %parallel_loop3A_188] {strides = array<i32>} : memref<2x2x200x64xf32, #tpu.memory_space<vmem>>, vector<1x1x1x16xf32>,
          %parallel_loop3A_190 = vector.shape_cast %parallel_loop3A_189 : vector<1x1x1x16xf32> to vector<16xf32>
          %parallel_loop3A_191 = vector.shape_cast %parallel_loop3A_183 : vector<16xf32> to vector<1x1x1x16xf32>
          tpu.vector_store %arg7[%parallel_loop3A_185, %parallel_loop3A_186, %parallel_loop3A_187, %parallel_loop3A_188], %parallel_loop3A_191 {strides = array<i32>} : memref<2x2x200x64xf32, #tpu.memory_space<vmem>>, vector<1x1x1x16xf32>,
          %parallel_loop3A_192 = arith.constant 0 : i32
          %parallel_loop3A_193 = arith.index_cast %sub3A_103 : i32 to index
          %parallel_loop3A_194 = arith.index_cast %parallel_loop3A_192 : i32 to index
          %parallel_loop3A_195 = arith.index_cast %parallel_loop3A_131 : i32 to index
          %parallel_loop3A_196 = arith.constant 48 : index
          %parallel_loop3A_197 = tpu.vector_load %arg7[%parallel_loop3A_193, %parallel_loop3A_194, %parallel_loop3A_195, %parallel_loop3A_196] {strides = array<i32>} : memref<2x2x200x64xf32, #tpu.memory_space<vmem>>, vector<1x1x1x16xf32>,
          %parallel_loop3A_198 = vector.shape_cast %parallel_loop3A_197 : vector<1x1x1x16xf32> to vector<16xf32>
          %parallel_loop3A_199 = arith.index_cast %parallel_loop3A_131 : i32 to index
          %parallel_loop3A_200 = arith.constant 48 : index
          %parallel_loop3A_201 = tpu.vector_load %arg8[%parallel_loop3A_199, %parallel_loop3A_200] {strides = array<i32>} : memref<200x64xf32, #tpu.memory_space<vmem>>, vector<1x16xf32>,
          %parallel_loop3A_202 = vector.shape_cast %parallel_loop3A_201 : vector<1x16xf32> to vector<16xf32>
          %parallel_loop3A_203 = arith.addf %parallel_loop3A_198, %parallel_loop3A_202 : vector<16xf32>
          %parallel_loop3A_204 = arith.constant 0 : i32
          %parallel_loop3A_205 = arith.index_cast %sub3A_103 : i32 to index
          %parallel_loop3A_206 = arith.index_cast %parallel_loop3A_204 : i32 to index
          %parallel_loop3A_207 = arith.index_cast %parallel_loop3A_131 : i32 to index
          %parallel_loop3A_208 = arith.constant 48 : index
          %parallel_loop3A_209 = tpu.vector_load %arg7[%parallel_loop3A_205, %parallel_loop3A_206, %parallel_loop3A_207, %parallel_loop3A_208] {strides = array<i32>} : memref<2x2x200x64xf32, #tpu.memory_space<vmem>>, vector<1x1x1x16xf32>,
          %parallel_loop3A_210 = vector.shape_cast %parallel_loop3A_209 : vector<1x1x1x16xf32> to vector<16xf32>
          %parallel_loop3A_211 = vector.shape_cast %parallel_loop3A_203 : vector<16xf32> to vector<1x1x1x16xf32>
          tpu.vector_store %arg7[%parallel_loop3A_205, %parallel_loop3A_206, %parallel_loop3A_207, %parallel_loop3A_208], %parallel_loop3A_211 {strides = array<i32>} : memref<2x2x200x64xf32, #tpu.memory_space<vmem>>, vector<1x1x1x16xf32>,
        } {sc.loop_unroll_factor = 2 : i64, sc.parallel_access}
        %parallel_loop3A_106 = arith.constant 0 : i32
        %parallel_loop3A_107 = arith.constant 200 : i32
        %parallel_loop3A_108 = arith.constant 1 : i32
        scf.for %parallel_loop3A_131 = %parallel_loop3A_106 to %parallel_loop3A_107 step %parallel_loop3A_108  : i32 {
          %parallel_loop3A_132 = arith.constant 1 : i32
          %parallel_loop3A_133 = arith.index_cast %sub3A_103 : i32 to index
          %parallel_loop3A_134 = arith.index_cast %parallel_loop3A_132 : i32 to index
          %parallel_loop3A_135 = arith.index_cast %parallel_loop3A_131 : i32 to index
          %parallel_loop3A_136 = arith.constant 0 : index
          %parallel_loop3A_137 = tpu.vector_load %arg7[%parallel_loop3A_133, %parallel_loop3A_134, %parallel_loop3A_135, %parallel_loop3A_136] {strides = array<i32>} : memref<2x2x200x64xf32, #tpu.memory_space<vmem>>, vector<1x1x1x16xf32>,
          %parallel_loop3A_138 = vector.shape_cast %parallel_loop3A_137 : vector<1x1x1x16xf32> to vector<16xf32>
          %parallel_loop3A_139 = arith.index_cast %parallel_loop3A_131 : i32 to index
          %parallel_loop3A_140 = arith.constant 0 : index
          %parallel_loop3A_141 = tpu.vector_load %arg8[%parallel_loop3A_139, %parallel_loop3A_140] {strides = array<i32>} : memref<200x64xf32, #tpu.memory_space<vmem>>, vector<1x16xf32>,
          %parallel_loop3A_142 = vector.shape_cast %parallel_loop3A_141 : vector<1x16xf32> to vector<16xf32>
          %parallel_loop3A_143 = arith.addf %parallel_loop3A_138, %parallel_loop3A_142 : vector<16xf32>
          %parallel_loop3A_144 = arith.constant 1 : i32
          %parallel_loop3A_145 = arith.index_cast %sub3A_103 : i32 to index
          %parallel_loop3A_146 = arith.index_cast %parallel_loop3A_144 : i32 to index
          %parallel_loop3A_147 = arith.index_cast %parallel_loop3A_131 : i32 to index
          %parallel_loop3A_148 = arith.constant 0 : index
          %parallel_loop3A_149 = tpu.vector_load %arg7[%parallel_loop3A_145, %parallel_loop3A_146, %parallel_loop3A_147, %parallel_loop3A_148] {strides = array<i32>} : memref<2x2x200x64xf32, #tpu.memory_space<vmem>>, vector<1x1x1x16xf32>,
          %parallel_loop3A_150 = vector.shape_cast %parallel_loop3A_149 : vector<1x1x1x16xf32> to vector<16xf32>
          %parallel_loop3A_151 = vector.shape_cast %parallel_loop3A_143 : vector<16xf32> to vector<1x1x1x16xf32>
          tpu.vector_store %arg7[%parallel_loop3A_145, %parallel_loop3A_146, %parallel_loop3A_147, %parallel_loop3A_148], %parallel_loop3A_151 {strides = array<i32>} : memref<2x2x200x64xf32, #tpu.memory_space<vmem>>, vector<1x1x1x16xf32>,
          %parallel_loop3A_152 = arith.constant 1 : i32
          %parallel_loop3A_153 = arith.index_cast %sub3A_103 : i32 to index
          %parallel_loop3A_154 = arith.index_cast %parallel_loop3A_152 : i32 to index
          %parallel_loop3A_155 = arith.index_cast %parallel_loop3A_131 : i32 to index
          %parallel_loop3A_156 = arith.constant 16 : index
          %parallel_loop3A_157 = tpu.vector_load %arg7[%parallel_loop3A_153, %parallel_loop3A_154, %parallel_loop3A_155, %parallel_loop3A_156] {strides = array<i32>} : memref<2x2x200x64xf32, #tpu.memory_space<vmem>>, vector<1x1x1x16xf32>,
          %parallel_loop3A_158 = vector.shape_cast %parallel_loop3A_157 : vector<1x1x1x16xf32> to vector<16xf32>
          %parallel_loop3A_159 = arith.index_cast %parallel_loop3A_131 : i32 to index
          %parallel_loop3A_160 = arith.constant 16 : index
          %parallel_loop3A_161 = tpu.vector_load %arg8[%parallel_loop3A_159, %parallel_loop3A_160] {strides = array<i32>} : memref<200x64xf32, #tpu.memory_space<vmem>>, vector<1x16xf32>,
          %parallel_loop3A_162 = vector.shape_cast %parallel_loop3A_161 : vector<1x16xf32> to vector<16xf32>
          %parallel_loop3A_163 = arith.addf %parallel_loop3A_158, %parallel_loop3A_162 : vector<16xf32>
          %parallel_loop3A_164 = arith.constant 1 : i32
          %parallel_loop3A_165 = arith.index_cast %sub3A_103 : i32 to index
          %parallel_loop3A_166 = arith.index_cast %parallel_loop3A_164 : i32 to index
          %parallel_loop3A_167 = arith.index_cast %parallel_loop3A_131 : i32 to index
          %parallel_loop3A_168 = arith.constant 16 : index
          %parallel_loop3A_169 = tpu.vector_load %arg7[%parallel_loop3A_165, %parallel_loop3A_166, %parallel_loop3A_167, %parallel_loop3A_168] {strides = array<i32>} : memref<2x2x200x64xf32, #tpu.memory_space<vmem>>, vector<1x1x1x16xf32>,
          %parallel_loop3A_170 = vector.shape_cast %parallel_loop3A_169 : vector<1x1x1x16xf32> to vector<16xf32>
          %parallel_loop3A_171 = vector.shape_cast %parallel_loop3A_163 : vector<16xf32> to vector<1x1x1x16xf32>
          tpu.vector_store %arg7[%parallel_loop3A_165, %parallel_loop3A_166, %parallel_loop3A_167, %parallel_loop3A_168], %parallel_loop3A_171 {strides = array<i32>} : memref<2x2x200x64xf32, #tpu.memory_space<vmem>>, vector<1x1x1x16xf32>,
          %parallel_loop3A_172 = arith.constant 1 : i32
          %parallel_loop3A_173 = arith.index_cast %sub3A_103 : i32 to index
          %parallel_loop3A_174 = arith.index_cast %parallel_loop3A_172 : i32 to index
          %parallel_loop3A_175 = arith.index_cast %parallel_loop3A_131 : i32 to index
          %parallel_loop3A_176 = arith.constant 32 : index
          %parallel_loop3A_177 = tpu.vector_load %arg7[%parallel_loop3A_173, %parallel_loop3A_174, %parallel_loop3A_175, %parallel_loop3A_176] {strides = array<i32>} : memref<2x2x200x64xf32, #tpu.memory_space<vmem>>, vector<1x1x1x16xf32>,
          %parallel_loop3A_178 = vector.shape_cast %parallel_loop3A_177 : vector<1x1x1x16xf32> to vector<16xf32>
          %parallel_loop3A_179 = arith.index_cast %parallel_loop3A_131 : i32 to index
          %parallel_loop3A_180 = arith.constant 32 : index
          %parallel_loop3A_181 = tpu.vector_load %arg8[%parallel_loop3A_179, %parallel_loop3A_180] {strides = array<i32>} : memref<200x64xf32, #tpu.memory_space<vmem>>, vector<1x16xf32>,
          %parallel_loop3A_182 = vector.shape_cast %parallel_loop3A_181 : vector<1x16xf32> to vector<16xf32>
          %parallel_loop3A_183 = arith.addf %parallel_loop3A_178, %parallel_loop3A_182 : vector<16xf32>
          %parallel_loop3A_184 = arith.constant 1 : i32
          %parallel_loop3A_185 = arith.index_cast %sub3A_103 : i32 to index
          %parallel_loop3A_186 = arith.index_cast %parallel_loop3A_184 : i32 to index
          %parallel_loop3A_187 = arith.index_cast %parallel_loop3A_131 : i32 to index
          %parallel_loop3A_188 = arith.constant 32 : index
          %parallel_loop3A_189 = tpu.vector_load %arg7[%parallel_loop3A_185, %parallel_loop3A_186, %parallel_loop3A_187, %parallel_loop3A_188] {strides = array<i32>} : memref<2x2x200x64xf32, #tpu.memory_space<vmem>>, vector<1x1x1x16xf32>,
          %parallel_loop3A_190 = vector.shape_cast %parallel_loop3A_189 : vector<1x1x1x16xf32> to vector<16xf32>
          %parallel_loop3A_191 = vector.shape_cast %parallel_loop3A_183 : vector<16xf32> to vector<1x1x1x16xf32>
          tpu.vector_store %arg7[%parallel_loop3A_185, %parallel_loop3A_186, %parallel_loop3A_187, %parallel_loop3A_188], %parallel_loop3A_191 {strides = array<i32>} : memref<2x2x200x64xf32, #tpu.memory_space<vmem>>, vector<1x1x1x16xf32>,
          %parallel_loop3A_192 = arith.constant 1 : i32
          %parallel_loop3A_193 = arith.index_cast %sub3A_103 : i32 to index
          %parallel_loop3A_194 = arith.index_cast %parallel_loop3A_192 : i32 to index
          %parallel_loop3A_195 = arith.index_cast %parallel_loop3A_131 : i32 to index
          %parallel_loop3A_196 = arith.constant 48 : index
          %parallel_loop3A_197 = tpu.vector_load %arg7[%parallel_loop3A_193, %parallel_loop3A_194, %parallel_loop3A_195, %parallel_loop3A_196] {strides = array<i32>} : memref<2x2x200x64xf32, #tpu.memory_space<vmem>>, vector<1x1x1x16xf32>,
          %parallel_loop3A_198 = vector.shape_cast %parallel_loop3A_197 : vector<1x1x1x16xf32> to vector<16xf32>
          %parallel_loop3A_199 = arith.index_cast %parallel_loop3A_131 : i32 to index
          %parallel_loop3A_200 = arith.constant 48 : index
          %parallel_loop3A_201 = tpu.vector_load %arg8[%parallel_loop3A_199, %parallel_loop3A_200] {strides = array<i32>} : memref<200x64xf32, #tpu.memory_space<vmem>>, vector<1x16xf32>,
          %parallel_loop3A_202 = vector.shape_cast %parallel_loop3A_201 : vector<1x16xf32> to vector<16xf32>
          %parallel_loop3A_203 = arith.addf %parallel_loop3A_198, %parallel_loop3A_202 : vector<16xf32>
          %parallel_loop3A_204 = arith.constant 1 : i32
          %parallel_loop3A_205 = arith.index_cast %sub3A_103 : i32 to index
          %parallel_loop3A_206 = arith.index_cast %parallel_loop3A_204 : i32 to index
          %parallel_loop3A_207 = arith.index_cast %parallel_loop3A_131 : i32 to index
          %parallel_loop3A_208 = arith.constant 48 : index
          %parallel_loop3A_209 = tpu.vector_load %arg7[%parallel_loop3A_205, %parallel_loop3A_206, %parallel_loop3A_207, %parallel_loop3A_208] {strides = array<i32>} : memref<2x2x200x64xf32, #tpu.memory_space<vmem>>, vector<1x1x1x16xf32>,
          %parallel_loop3A_210 = vector.shape_cast %parallel_loop3A_209 : vector<1x1x1x16xf32> to vector<16xf32>
          %parallel_loop3A_211 = vector.shape_cast %parallel_loop3A_203 : vector<16xf32> to vector<1x1x1x16xf32>
          tpu.vector_store %arg7[%parallel_loop3A_205, %parallel_loop3A_206, %parallel_loop3A_207, %parallel_loop3A_208], %parallel_loop3A_211 {strides = array<i32>} : memref<2x2x200x64xf32, #tpu.memory_space<vmem>>, vector<1x1x1x16xf32>,
        } {sc.loop_unroll_factor = 2 : i64, sc.parallel_access}
        %sub3A_109 = arith.constant 1 : i32
        %sub3A_110 = arith.subi %scan3A_27, %sub3A_109 : i32
        %sub3A_111 = arith.constant 1 : i32
        %sub3A_112 = arith.subi %sub3A_111, %select_n3A_37 : i32
        %mul3A_113 = arith.constant 2 : i32
        %mul3A_114 = arith.muli %sub3A_110, %mul3A_113 : i32
        %add3A_115 = arith.addi %mul3A_2, %mul3A_114 : i32
        %dma_start3A = arith.constant 0 : i32
        %dma_start3A_116 = arith.constant 0 : i32
        %dma_start3A_117 = arith.constant 0 : i32
        %dma_start3A_118 = tpu.memref_slice %arg7[%sub3A_112, %dma_start3A, %dma_start3A_116, %dma_start3A_117] : memref<2x2x200x64xf32, #tpu.memory_space<vmem>> -> memref<1x2x200x64xf32, #tpu.memory_space<vmem>>
        %dma_start3A_119 = tpu.memref_squeeze %dma_start3A_118 : memref<1x2x200x64xf32, #tpu.memory_space<vmem>> -> memref<2x200x64xf32, #tpu.memory_space<vmem>>
        %dma_start3A_120 = arith.constant 0 : i32
        %dma_start3A_121 = arith.constant 0 : i32
        %dma_start3A_122 = tpu.memref_slice %arg5[%add3A_115, %dma_start3A_120, %dma_start3A_121] : memref<4096x200x64xf32, #tpu.memory_space<hbm>> -> memref<2x200x64xf32, #tpu.memory_space<hbm>>
        %dma_start3A_123 = arith.constant 0 : i32
        %dma_start3A_124 = arith.constant 0 : i32
        %dma_start3A_125 = tpu.memref_slice %arg5[%add3A_115, %dma_start3A_123, %dma_start3A_124] : memref<4096x200x64xf32, #tpu.memory_space<hbm>> -> memref<2x200x64xf32, #tpu.memory_space<hbm>>
        %dma_start3A_126 = arith.constant 0 : i32
        %dma_start3A_127 = arith.constant 0 : i32
        %dma_start3A_128 = arith.constant 0 : i32
        %dma_start3A_129 = tpu.memref_slice %arg7[%sub3A_112, %dma_start3A_126, %dma_start3A_127, %dma_start3A_128] : memref<2x2x200x64xf32, #tpu.memory_space<vmem>> -> memref<1x2x200x64xf32, #tpu.memory_space<vmem>>
        %dma_start3A_130 = tpu.memref_squeeze %dma_start3A_129 : memref<1x2x200x64xf32, #tpu.memory_space<vmem>> -> memref<2x200x64xf32, #tpu.memory_space<vmem>>
        tpu.enqueue_dma source(%dma_start3A_130 : memref<2x200x64xf32, #tpu.memory_space<vmem>>) target(%dma_start3A_125 : memref<2x200x64xf32, #tpu.memory_space<hbm>>) target_semaphore(%arg10 : memref<!tpu.dma_semaphore, #tpu.memory_space<semaphore_mem>>)
      } else {
      }
      %scan3A_50 = arith.constant 0 : i32
      scf.yield %scan3A_50 : i32
    }
    %scan3A_8 = arith.constant 65 : i32
    %dma_wait3A = arith.constant 0 : i32
    %dma_wait3A_9 = arith.constant 0 : i32
    %dma_wait3A_10 = arith.constant 0 : i32
    %dma_wait3A_11 = arith.constant 0 : i32
    %dma_wait3A_12 = tpu.memref_slice %arg7[%dma_wait3A, %dma_wait3A_9, %dma_wait3A_10, %dma_wait3A_11] : memref<2x2x200x64xf32, #tpu.memory_space<vmem>> -> memref<1x2x200x64xf32, #tpu.memory_space<vmem>>
    %dma_wait3A_13 = tpu.memref_squeeze %dma_wait3A_12 : memref<1x2x200x64xf32, #tpu.memory_space<vmem>> -> memref<2x200x64xf32, #tpu.memory_space<vmem>>
    %dma_wait3A_14 = arith.constant 0 : i32
    %dma_wait3A_15 = arith.constant 0 : i32
    %dma_wait3A_16 = arith.constant 0 : i32
    %dma_wait3A_17 = tpu.memref_slice %arg5[%dma_wait3A_14, %dma_wait3A_15, %dma_wait3A_16] : memref<4096x200x64xf32, #tpu.memory_space<hbm>> -> memref<2x200x64xf32, #tpu.memory_space<hbm>>
    %dma_wait3A_18 = arith.constant 0 : i32
    %dma_wait3A_19 = arith.constant 0 : i32
    %dma_wait3A_20 = arith.constant 0 : i32
    %dma_wait3A_21 = tpu.memref_slice %arg5[%dma_wait3A_18, %dma_wait3A_19, %dma_wait3A_20] : memref<4096x200x64xf32, #tpu.memory_space<hbm>> -> memref<2x200x64xf32, #tpu.memory_space<hbm>>
    %dma_wait3A_22 = arith.constant 0 : i32
    %dma_wait3A_23 = arith.constant 0 : i32
    %dma_wait3A_24 = arith.constant 0 : i32
    %dma_wait3A_25 = tpu.memref_slice %arg7[%dma_wait3A, %dma_wait3A_22, %dma_wait3A_23, %dma_wait3A_24] : memref<2x2x200x64xf32, #tpu.memory_space<vmem>> -> memref<1x2x200x64xf32, #tpu.memory_space<vmem>>
    %dma_wait3A_26 = tpu.memref_squeeze %dma_wait3A_25 : memref<1x2x200x64xf32, #tpu.memory_space<vmem>> -> memref<2x200x64xf32, #tpu.memory_space<vmem>>
    tpu.wait_dma2 semaphore(%arg10 : memref<!tpu.dma_semaphore, #tpu.memory_space<semaphore_mem>>) src(%dma_wait3A_26 : memref<2x200x64xf32, #tpu.memory_space<vmem>>) dst(%dma_wait3A_21 : memref<2x200x64xf32, #tpu.memory_space<hbm>>)
    return
  }
}

</mosaic_0001>

<sc_bundles>
// kernel: kernel.3.cloned.1.call-start
scs
__scs_entry_jumppad:
0x0: {  	(pc) =	sbr.rel $0x88, $3  }
0x1: {  	(tag) =	ssettag $0x0;
	lr =	simm.s32 $0x1  }
0x2: {  	[smem:$0x3F9F] =	sst lr;
	_ =	strace $0xD0000000  }
0x3: {  	_ = 	snop  }
0x4: {  	_ = 	snop  }
0x5: {  	_ = 	snop  }
0x6: {  	_ = 	snop  }
0x7: {  	_ = 	snop  }
__scs_overlays_trampoline_lowered:
0x8: {  	[smem:$0x3FAE] =	sst s0  }
0x9: {  	[smem:$0x3FAF] =	sst s1  }
0xa: {  	[smem:$0x3FB0] =	sst s2  }
0xb: {  	[smem:$0x3FB1] =	sst s3  }
0xc: {  	[smem:$0x3FB2] =	sst s4  }
0xd: {  	[smem:$0x3FB3] =	sst s5  }
0xe: {  	[smem:$0x3FB4] =	sst s6  }
0xf: {  	[smem:$0x3FB5] =	sst s7  }
0x10: {  	[smem:$0x3FB6] =	sst s8  }
0x11: {  	[smem:$0x3FB7] =	sst s9;
	s0 =	simm.s32 @!p0 $0x0  }
0x12: {  	s1 =	sld [smem:$0x3F9D];
	s0 =	simm.s32 @p0 $0x1  }
0x13: {  	[smem:$0x3FB8] =	sst s0;
	s0 =	simm.s32 @!p1 $0x0  }
0x14: {  	s2 =	sld [smem:$0x3F9C];
	s0 =	simm.s32 @p1 $0x1  }
0x15: {  	[smem:$0x3FB9] =	sst s0;
	s0 =	simm.s32 @!p2 $0x0  }
0x16: {  	s3 =	sld [smem:$0x3FDB];
	s0 =	simm.s32 @p2 $0x1  }
0x17: {  	s4 =	simm.s32 $0x1BF5;
	[smem:$0x3FBB] =	sst s0  }
0x18: {  	s0 =	sld [smem:$0x3F9E];
	_ =	swait.ge [sflag:s4], $0x0  }
0x19: {  	s7 =	sld [smem:$0x3F9F]  }
0x1a: {  	s8 =	sadd.s32 $0xFFFFE003, lr  }
0x1b: {  	s9 =	sadd.s32 $0xFFFFFEF7, lr;
	s5 =	simm.s32 $0xFFFFFFFF;
	p2 =	slt.u32 s8, $0xFFFFF086  }
0x1c: {  	p1 =	slt.u32 s9, $0xF7A;
	s5 =	simm.s32 @!p2 $0x0  }
0x1d: {  	s5 =	simm.s32 @p1 $0x1;
	p0 =	seq.s32 s7, s2  }
0x1e: {  	s7 =	smul.u32 @!p0 $0xF7A, s2;
	p2 =	seq.s32 @!p0 s5, $0x0  }
0x1f: {  	s9 =	smul.u32 $0xF7A, s1;
	s8 =	simm.s32 @!p0 $0x1BF5;
	p2 =	por !p2, p0  }
0x20: {  	[sflag:s8] =	ssyncset.s32 @!p0 $0xFFFFF086;
	s6 =	sadd.s32 @!p0 s3, s7;
	s7 =	simm.s32 @!p0 $0x108  }
0x21: {  	s3 =	sadd.s32 s3, s9;
	s6 =	sadd.s32 @!p0 $0x88, s6;
	s7 =	simm.s32 @p2 $0x1082  }
0x22: {  	[simem:s7], [sflag:s8] =	dma.local @!p0 [hbm:s6], $0xF7A  }
0x23: {  	s9 =	sor.u32 $0xD0000000, s2;
	s6 =	simm.s32 $0x108;
	_ =	swait.ge @!p0 [sflag:s8], $0x0  }
0x24: {  	s3 =	sadd.s32 $0x88, s3;
	s6 =	simm.s32 @!p1 $0x1082;
	[sflag:s4] =	ssyncset.s32 $0xFFFFF086  }
0x25: {  	[simem:s6], [sflag:s4] =	dma.local [hbm:s3], $0xF7A  }
0x26: {  	[smem:$0x3F9F] =	sst s1;
	(tag) =	ssettag s2;
	_ =	strace s9  }
0x27: {  	s1 =	sld [smem:$0x3FAF]  }
0x28: {  	s2 =	sld [smem:$0x3FB0]  }
0x29: {  	s4 =	sld [smem:$0x3FB2]  }
0x2a: {  	p0 =	seq.s32 s5, $0x0;
	s5 =	sld [smem:$0x3FB3]  }
0x2b: {  	s6 =	sld [smem:$0x3FB4]  }
0x2c: {  	s7 =	sld [smem:$0x3FB5]  }
0x2d: {  	s3 =	simm.s32 $0x108;
	s8 =	sld [smem:$0x3FB6]  }
0x2e: {  	s3 =	simm.s32 @!p0 $0x1082;
	s9 =	sld [smem:$0x3FB7]  }
0x2f: {  	lr =	sadd.s32 s0, s3;
	s0 =	sld [smem:$0x3FAE]  }
0x30: {  	s3 =	sld [smem:$0x3FB1]  }
0x31: {  	[smem:$0x3FBA] =	sst s10  }
0x32: {  	s10 =	sld [smem:$0x3FB8];
	_ =	sdelay $0x3  }
0x33: {  	p0 =	seq.s32 s10, $0x1;
	s10 =	sld [smem:$0x3FBA];
	_ =	sdelay $0x3  }
0x34: {  	[smem:$0x3FBA] =	sst s10  }
0x35: {  	s10 =	sld [smem:$0x3FB9];
	_ =	sdelay $0x3  }
0x36: {  	p1 =	seq.s32 s10, $0x1;
	s10 =	sld [smem:$0x3FBA];
	_ =	sdelay $0x3  }
0x37: {  	[smem:$0x3FBA] =	sst s10  }
0x38: {  	s10 =	sld [smem:$0x3FBB]  }
0x39: {  	_ = 	snop;
	(pc) =	sbr.ind lr, $3  }
0x3a: {  	_ = 	snop  }
0x3b: {  	_ = 	snop  }
0x3c: {  	p2 =	seq.s32 s10, $0x1;
	s10 =	sld [smem:$0x3FBA]  }
0x3d: {  	_ =	shalt  }
0x3e: {  	_ =	shalt  }
0x3f: {  	_ =	shalt  }
0x40: {  	_ =	shalt  }
0x41: {  	_ =	shalt  }
0x42: {  	_ =	shalt  }
0x43: {  	_ =	shalt  }
0x44: {  	_ =	shalt  }
0x45: {  	_ =	shalt  }
0x46: {  	_ =	shalt  }
0x47: {  	_ =	shalt  }
0x48: {  	_ =	shalt  }
0x49: {  	_ =	shalt  }
0x4a: {  	_ =	shalt  }
0x4b: {  	_ =	shalt  }
0x4c: {  	_ =	shalt  }
0x4d: {  	_ =	shalt  }
0x4e: {  	_ =	shalt  }
0x4f: {  	_ =	shalt  }
0x50: {  	_ =	shalt  }
0x51: {  	_ =	shalt  }
0x52: {  	_ =	shalt  }
0x53: {  	_ =	shalt  }
0x54: {  	_ =	shalt  }
0x55: {  	_ =	shalt  }
0x56: {  	_ =	shalt  }
0x57: {  	_ =	shalt  }
0x58: {  	_ =	shalt  }
0x59: {  	_ =	shalt  }
0x5a: {  	_ =	shalt  }
0x5b: {  	_ =	shalt  }
0x5c: {  	_ =	shalt  }
0x5d: {  	_ =	shalt  }
0x5e: {  	_ =	shalt  }
0x5f: {  	_ =	shalt  }
0x60: {  	_ =	shalt  }
0x61: {  	_ =	shalt  }
0x62: {  	_ =	shalt  }
0x63: {  	_ =	shalt  }
0x64: {  	_ =	shalt  }
0x65: {  	_ =	shalt  }
0x66: {  	_ =	shalt  }
0x67: {  	_ =	shalt  }
0x68: {  	_ =	shalt  }
0x69: {  	_ =	shalt  }
0x6a: {  	_ =	shalt  }
0x6b: {  	_ =	shalt  }
0x6c: {  	_ =	shalt  }
0x6d: {  	_ =	shalt  }
0x6e: {  	_ =	shalt  }
0x6f: {  	_ =	shalt  }
0x70: {  	_ =	shalt  }
0x71: {  	_ =	shalt  }
0x72: {  	_ =	shalt  }
0x73: {  	_ =	shalt  }
0x74: {  	_ =	shalt  }
0x75: {  	_ =	shalt  }
0x76: {  	_ =	shalt  }
0x77: {  	_ =	shalt  }
0x78: {  	_ =	shalt  }
0x79: {  	_ =	shalt  }
0x7a: {  	_ =	shalt  }
0x7b: {  	_ =	shalt  }
0x7c: {  	_ =	shalt  }
0x7d: {  	_ =	shalt  }
0x7e: {  	_ =	shalt  }
0x7f: {  	_ =	shalt  }
0x80: {  	_ =	shalt  }
0x81: {  	_ =	shalt  }
0x82: {  	_ =	shalt  }
0x83: {  	_ =	shalt  }
0x84: {  	_ =	shalt  }
0x85: {  	_ =	shalt  }
0x86: {  	_ =	shalt  }
0x87: {  	_ =	shalt  }
.Lfunc_end0:
.L_simem_size_0:
called_computation.1_lowered:
.L_overlay_start_0:
0x88: {  	s2 =	sld [smem:$0x3FD9]  }
0x89: {  	s3 =	sld [smem:$0x3FFE];
	_ =	sdelay $0x1  }
0x8a: {  	s1 =	srdreg.scid  }
0x8b: {  	s0 =	sand.u32 $0x1, s1  }
0x8c: {  	s17 =	sshll.u32 s0, $0xA;
	s2 =	sadd.s32 s3, s2  }
0x8d: {  	s2 =	sadd.s32 s2, s17  }
0x8e: {  	[smem:$0x3FC6] =	sst s2  }
0x8f: {  	_ = 	snop  }
0x90: {  	s2 =	sld [smem:$0x3FD0];
	(tm) =	ssettm $0x1  }
0x91: {  	s18 =	sld [smem:$0x3FFB];
	_ =	sdelay $0x3  }
0x92: {  	_ =	strace s18  }
0x93: {  	s3 =	sld [smem:$0x3FFC];
	_ =	sdelay $0x3  }
0x94: {  	_ =	strace s3  }
0x95: {  	s3 =	sld [smem:$0x3FFD];
	_ =	sdelay $0x3  }
0x96: {  	_ =	strace s3  }
0x97: {  	_ =	strace $0x8FFFFFFF  }
0x98: {  	s19 =	sld [smem:$0x3FDB];
	_ =	sdelay $0x1  }
0x99: {  	s4 =	simm.s32 $_scs_section_size  }
0x9a: {  	s5 =	simm.s32 $_size__tile_overlayer_lowered;
	s6 =	simm.s32 $_tile_overlayer_lowered  }
0x9b: {  	s22 =	simm.s32 $0x1BFF;
	s21 =	sshll.u32 s6, $0x1;
	s3 =	sadd.s32 s4, s19  }
0x9c: {  	s7 =	simm.s32 $0x0;
	s20 =	sshll.u32 s5, $0x1;
	s5 =	sadd.s32 s21, s3  }
0x9d: {  	[timem:s7], [sflag:s22] =	dma.local [hbm:s5], s20  }
0x9e: {  	_ =	swait.ge [sflag:s22], s20  }
0x9f: {  	s4 =	ssub.s32 $0x0, s20;
	[sflag:s22] =	ssyncset.done $0x0  }
0xa0: {  	[sflag:s22] =	ssyncadd.s32 s4;
	_ =	sdelay $0x1  }
0xa1: {  	s23 =	simm.s32 $0x1B8B  }
0xa2: {  	_ =	swait.ge [sflag:s23], $0x1  }
0xa3: {  	[sflag:s23] =	ssyncset.done $0x0  }
0xa4: {  	s25 =	simm.s32 $0x1B8E;
	s24 =	sld [smem:$0x3FFE];
	[sflag:s23] =	ssyncadd.s32 $0xFFFFFFFF  }
0xa5: {  	s26 =	simm.s32 $execute0_lowered;
	[smem:$0x3FD2] =	sst s25  }
0xa6: {  	s5 =	sshll.u32 s26, $0x1;
	_ =	strace $0x80000046;
	[dreg:$0x1] =	wrdreg $0xFFFFFFFF  }
0xa7: {  	s28 =	simm.s32 $_size_execute0_lowered;
	s3 =	sadd.s32 s3, s5;
	[dreg:$0x0] =	wrdreg $0x0  }
0xa8: {  	s5 =	sshll.u32 s28, $0x1;
	[dreg:$0x2] =	wrdreg s3  }
0xa9: {  	[dreg:$0x3] =	wrdreg s5  }
0xaa: {  	[dreg:$0x4] =	wrdreg $0xC0  }
0xab: {  	_ =	task [dreg:s7], $0x5FFFF  }
0xac: {  	[dreg:$0x1] =	wrdreg $0xFFFFFFFF  }
0xad: {  	[dreg:$0x0] =	wrdreg $0x60  }
0xae: {  	[dreg:$0x2] =	wrdreg s24  }
0xaf: {  	[dreg:$0x3] =	wrdreg s2  }
0xb0: {  	[dreg:$0x4] =	wrdreg $0x9  }
0xb1: {  	_ =	task.clear_ibuf [dreg:s7], $0x5FFFF;
	_ =	strace $0x90000046  }
0xb2: {  	s29 =	simm.s32 $0x9;
	_ =	strace $0x80000048  }
0xb3: {  	_ =	swait.ge [sflag:s29], $0x1  }
0xb4: {  	[sflag:s29] =	ssyncadd.s32 $0xFFFFFFFF  }
0xb5: {  	_ =	strace $0x90000048  }
0xb6: {  	_ =	sfence  }
0xb7: {  	s30 =	sld [smem:$0x0];
	_ =	sdelay $0x2  }
0xb8: {  	s31 =	sshll.u32 s1, $0xD;
	s1 =	sshrl.u32 s1, $0x2  }
0xb9: {  	s3 =	sand.u32 $0x4000, s31;
	s1 =	sadd.s32 s1, s30  }
0xba: {  	s0 =	sor.u32 s3, s0;
	s1 =	sshll.u32 s1, $0x11  }
0xbb: {  	s0 =	sor.u32 s1, s0  }
0xbc: {  	s0 =	sadd.s32 $0x8F2B, s0  }
0xbd: {  	[sflag:s0] =	ssyncadd.remote.s32 $0x1  }
0xbe: {  	_ =	sfence.sel $0xFFFF  }
0xbf: {  	[dreg:$0x0] =	wrdreg $0xFFFFFFFF;
	(pc) =	sbr.abs _section_cstart, $3  }
0xc0: {  	[dreg:$0x1] =	wrdreg $0xFFFFFFFF  }
0xc1: {  	_ =	task.clear_ibuf [dreg:s7], $0x2FFFF;
	_ =	strace $0x9FFFFFFF  }
0xc2: {  	(tm) =	ssettm $0x7FFFFFFF  }
0xc3: {  	_ =	shalt  }
tec
execute0_lowered:
.L_overlay_start_1:
0x0: {  	(tag) =	ssettag $0x1  }
0x1: {  	s1 =	srdreg.scid;
	s5 =	rddreg [dreg:$0x0]  }
0x2: {  	s0 =	stileid.u32;
	s2 =	rddreg [dreg:$0x1]  }
0x3: {  	s10 =	simm.s32 $0x12C00;
	s11 =	simm.s32 $0x1;
	s12 =	simm.s32 $0x2  }
0x4: {  	s13 =	simm.s32 $0x0;
	s4 =	sand.u32 $0x1, s1;
	s31 =	sshll.u32 s0, $0x8  }
0x5: {  	s1 =	rddreg [dreg:$0x2];
	s3 =	sshll.u32 s4, $0x7;
	s8 =	ssub.s32 $0x2, s4  }
.Ltmp0:
0x6: {  	s4 =	sadd.s32 $0xF43000, s5;
	s7 =	sor.u32 s3, s31;
	(pc) =	sbr.rel .LBB2_1-.Ltmp0, $4  }
0x7: {  	s3 =	simm.s32 $0x0;
	s9 =	sshrl.u32 s8, $0x1;
	s6 =	smul.u32 $0x19, s7  }
0x8: {  	[smem:$0x7FF] =	sst s3;
	s8 =	ssub.s32 s8, s9;
	s7 =	sadd.s32 $0xFFFFFFFE, s7  }
0x9: {  	s9 =	simm.s32 $0x3;
	_ =	strace $0x80000047;
	s6 =	sadd.s32 s6, s5  }
0xa: {  	s8 =	smax.u32 s8, $0x1;
	s5 =	sadd.s32 $0x19C00, s5;
	s6 =	sadd.s32 $0xC00, s6  }
.LBB2_9:
0xb: {  	s13 =	sadd.s32 $0x1, s13  }
0xc: {  	p0 =	sne.s32 s13, s8  }
.Ltmp1:
0xd: {  	_ = 	snop;
	(pc) =	sbr.rel @!p0 .LBB2_10-.Ltmp1, $4  }
0xe: {  	_ = 	snop  }
0xf: {  	_ =	swait.ge [sflag:s12], $0x6400  }
0x10: {  	[sflag:s12] =	ssyncset.done $0x0  }
0x11: {  	[sflag:s12] =	ssyncadd.s32 $0xFFFF9C00  }
.LBB2_1:
0x12: {  	[tilespmem:s3], [sflag:$0x3] =	stream.linear.gather [hbm4b:s6+s3], $0x6400, $0x38;
	[tilespmem:$0x15E00] =	vst v63  }
0x13: {  	_ =	swait.ge [sflag:s9], $0x6400  }
0x14: {  	[sflag:s9] =	ssyncset.done $0x0  }
.Ltmp2:
0x15: {  	[sflag:s9] =	ssyncadd.s32 $0xFFFF9C00;
	(pc) =	sbr.rel .LBB2_2-.Ltmp2, $4  }
0x16: {  	[tilespmem:s10], [sflag:$0x3] =	stream.linear.gather [hbm4b:s5+s3], $0x3200, $0x38;
	[tilespmem:$0x15E00] =	vst v63  }
0x17: {  	_ =	swait.ge [sflag:s9], $0x3200  }
0x18: {  	[sflag:s9] =	ssyncset.done $0x0  }
0x19: {  	p0 =	por $0x1, $0x1;
	s14 =	simm.s32 $0x0;
	[sflag:s9] =	ssyncadd.s32 $0xFFFFCE00  }
.LBB2_8:
0x1a: {  	s14 =	sadd.s32 $0x1, s14  }
0x1b: {  	p1 =	sne.s32 s14, $0x41  }
.Ltmp3:
0x1c: {  	_ = 	snop;
	(pc) =	sbr.rel @!p1 .LBB2_9-.Ltmp3, $2  }
0x1d: {  	_ =	sdelay $0x2  }
0x1e: {  	p0 =	por !p0, !p0  }
.LBB2_2:
0x1f: {  	p2 =	slt.u32 s14, $0x2  }
0x20: {  	p1 =	seq.s32 @!p2 s14, $0x40  }
0x21: {  	s16 =	sand.u32 $0x1, s14;
	s15 =	simm.s32 @!p2 $0x2;
	p1 =	por p2, !p1  }
0x22: {  	_ =	swait.ge @!p2 [sflag:s15], $0x6400;
	s17 =	smul.u32 @p1 $0x19000, s16  }
0x23: {  	[sflag:s15] =	ssyncset.done @!p2 $0x0;
	s18 =	smul.u32 @p1 $0x640, s14  }
0x24: {  	[sflag:s15] =	ssyncadd.s32 @!p2 $0xFFFF9C00;
	s15 =	sshrl.u32 @p1 s17, $0x2  }
0x25: {  	s19 =	simm.s32 @p1 $0x80;
	s18 =	sshra.s32 @p1 s18, $0x2;
	s17 =	sadd.s32 @p1 $0x6400, s15  }
0x26: {  	[tilespmem:s17], [sflag:$0x1] =	stream.indirect.gather @p1 [hbm4b:s4+s19], $0x40, s18, s19, $0xb8;
	[tilespmem:$0x15E00] =	vst v63  }
0x27: {  	s21 =	simm.s32 @p1 $0x48;
	s20 =	sadd.s32 @p1 $0x80, s18;
	s17 =	sadd.s32 @p1 $0x8400, s15  }
0x28: {  	[tilespmem:s17], [sflag:$0x1] =	stream.indirect.gather @p1 [hbm4b:s4+s21], $0x40, s20, s21, $0xb8;
	[tilespmem:$0x15E00] =	vst v63  }
0x29: {  	s17 =	sadd.s32 @p1 $0x9600, s15;
	s20 =	sadd.s32 @p1 $0xC8, s18  }
0x2a: {  	[tilespmem:s17], [sflag:$0x1] =	stream.indirect.gather @p1 [hbm4b:s4+s19], $0x40, s20, s19, $0xb8;
	[tilespmem:$0x15E00] =	vst v63  }
0x2b: {  	p2 =	seq.s32 @p1 s14, $0x0;
	s15 =	sadd.s32 @p1 $0xB600, s15;
	s17 =	sadd.s32 @p1 $0x148, s18  }
0x2c: {  	[tilespmem:s15], [sflag:$0x1] =	stream.indirect.gather @p1 [hbm4b:s4+s21], $0x40, s17, s21, $0xb8;
	[tilespmem:$0x15E00] =	vst v63  }
0x2d: {  	p1 =	por !p1, !p2  }
.Ltmp4:
0x2e: {  	_ = 	snop;
	(pc) =	sbr.rel @!p1 .LBB2_8-.Ltmp4, $1  }
0x2f: {  	_ =	sdelay $0x3  }
0x30: {  	_ =	swait.ge [sflag:s11], $0x2000  }
0x31: {  	[sflag:s11] =	ssyncset.done $0x0  }
0x32: {  	[sflag:s11] =	ssyncadd.s32 $0xFFFFE000  }
0x33: {  	_ =	swait.ge [sflag:s11], $0x1200  }
0x34: {  	[sflag:s11] =	ssyncset.done $0x0  }
0x35: {  	[sflag:s11] =	ssyncadd.s32 $0xFFFFEE00  }
0x36: {  	s15 =	simm.s32 $0x1;
	_ =	swait.ge [sflag:s11], $0x2000  }
0x37: {  	s15 =	simm.s32 @!p0 $0x0;
	[sflag:s11] =	ssyncset.done $0x0  }
0x38: {  	s15 =	smul.u32 $0x19000, s15;
	[sflag:s11] =	ssyncadd.s32 $0xFFFFE000  }
0x39: {  	_ =	swait.ge [sflag:s11], $0x1200  }
0x3a: {  	s15 =	sshrl.u32 s15, $0x2;
	[sflag:s11] =	ssyncset.done $0x0  }
0x3b: {  	s18 =	sadd.s32 $0x6440, s15;
	[sflag:s11] =	ssyncadd.s32 $0xFFFFEE00  }
0x3c: {  	s17 =	simm.s32 $0x12C40;
	v0 =	vld [tilespmem:s18+$0x0]  }
0x3d: {  	v1 =	vld [tilespmem:s17+$0x0];
	_ =	sdelay $0x1  }
0x3e: {  	v2 =	vld [tilespmem:s17+$0xFFFFFFC0]  }
0x3f: {  	v3 =	vld [tilespmem:s18+$0xFFFFFFC0];
	_ =	sdelay $0x1  }
0x40: {  	v0 =	vadd.f32 v1, v0;
	_ =	sdelay $0x1  }
0x41: {  	[tilespmem:s18+$0x0] =	vst v0;
	v0 =	vld [tilespmem:s18+$0x10]  }
0x42: {  	v1 =	vadd.f32 v2, v3;
	v2 =	vld [tilespmem:s17+$0x10]  }
0x43: {  	v4 =	vld [tilespmem:s18+$0xFFFFFFE0]  }
0x44: {  	v5 =	vld [tilespmem:s18+$0x20]  }
0x45: {  	v3 =	vld [tilespmem:s18+$0xFFFFFFD0];
	[tilespmem:s18+$0xFFFFFFC0] =	vst v1  }
0x46: {  	s19 =	sadd.s32 $0x80, s18;
	v1 =	vld [tilespmem:s17+$0xFFFFFFD0]  }
0x47: {  	s20 =	simm.s32 $0x12CC0;
	v6 =	vld [tilespmem:s19+$0x0];
	v0 =	vadd.f32 v2, v0  }
0x48: {  	v7 =	vld [tilespmem:s20+$0x0]  }
0x49: {  	v9 =	vld [tilespmem:s20+$0xFFFFFFC0];
	[tilespmem:s18+$0x10] =	vst v0  }
0x4a: {  	v8 =	vld [tilespmem:s17+$0x20]  }
0x4b: {  	v1 =	vadd.f32 v1, v3;
	v3 =	vld [tilespmem:s19+$0xFFFFFFC0]  }
0x4c: {  	v2 =	vld [tilespmem:s19+$0xFFFFFFD0]  }
0x4d: {  	v0 =	vld [tilespmem:s18+$0xFFFFFFF0];
	[tilespmem:s18+$0xFFFFFFD0] =	vst v1;
	v1 =	vadd.f32 v7, v6  }
0x4e: {  	v6 =	vld [tilespmem:s17+$0xFFFFFFE0]  }
0x4f: {  	v7 =	vld [tilespmem:s18+$0x30];
	[tilespmem:s19+$0x0] =	vst v1;
	v5 =	vadd.f32 v8, v5  }
0x50: {  	v1 =	vadd.f32 v9, v3;
	v9 =	vld [tilespmem:s20+$0x10]  }
0x51: {  	v8 =	vld [tilespmem:s19+$0x10];
	[tilespmem:s18+$0x20] =	vst v5  }
0x52: {  	v10 =	vld [tilespmem:s17+$0x30]  }
0x53: {  	v3 =	vld [tilespmem:s19+$0xFFFFFFF0];
	[tilespmem:s19+$0xFFFFFFC0] =	vst v1;
	v4 =	vadd.f32 v6, v4  }
0x54: {  	v6 =	vld [tilespmem:s20+$0xFFFFFFD0]  }
0x55: {  	v1 =	vld [tilespmem:s19+$0xFFFFFFE0];
	[tilespmem:s18+$0xFFFFFFE0] =	vst v4  }
0x56: {  	s16 =	sxor.u32 $0x1, s16;
	s22 =	simm.s32 $0x2;
	v4 =	vld [tilespmem:s17+$0xFFFFFFF0];
	v8 =	vadd.f32 v9, v8  }
0x57: {  	s21 =	simm.s32 $0x12CC0;
	s15 =	sadd.s32 $0x9670, s15;
	s23 =	sadd.s32 $0x80, s19;
	v5 =	vld [tilespmem:s19+$0x20];
	v7 =	vadd.f32 v10, v7  }
.LBB2_4:
0x58: {  	v9 =	vld [tilespmem:s23+$0x0];
	[tilespmem:s19+$0x10] =	vst v8;
	s20 =	sadd.s32 $0x80, s20  }
0x59: {  	v8 =	vld [tilespmem:s20+$0x0];
	v2 =	vadd.f32 v6, v2;
	[tilespmem:s18+$0x30] =	vst v7  }
0x5a: {  	s22 =	sadd.s32 $0x2, s22;
	v6 =	vld [tilespmem:s21+$0x20]  }
0x5b: {  	p1 =	slt.u32 s22, $0xC6;
	v7 =	vld [tilespmem:s20+$0xFFFFFFC0];
	[tilespmem:s19+$0xFFFFFFD0] =	vst v2;
	v4 =	vadd.f32 v4, v0;
	v0 =	vmov v3  }
0x5c: {  	v3 =	vld [tilespmem:s23+$0xFFFFFFC0]  }
0x5d: {  	v2 =	vld [tilespmem:s23+$0xFFFFFFD0];
	[tilespmem:s18+$0xFFFFFFF0] =	vst v4;
	s18 =	smov.u32 s19;
	s19 =	smov.u32 s23  }
0x5e: {  	v4 =	vadd.f32 v8, v9;
	v8 =	vld [tilespmem:s21+$0xFFFFFFE0]  }
0x5f: {  	v5 =	vadd.f32 v6, v5;
	v9 =	vld [tilespmem:s18+$0x30]  }
0x60: {  	[tilespmem:s23+$0x0] =	vst v4;
	v4 =	vld [tilespmem:s23+$0x10]  }
0x61: {  	v3 =	vadd.f32 v7, v3;
	v7 =	vld [tilespmem:s20+$0x10];
	[tilespmem:s18+$0x20] =	vst v5  }
0x62: {  	v10 =	vld [tilespmem:s21+$0x30]  }
.Ltmp5:
0x63: {  	[tilespmem:s23+$0xFFFFFFC0] =	vst v3;
	v5 =	vadd.f32 v8, v1;
	v1 =	vld [tilespmem:s23+$0xFFFFFFE0];
	(pc) =	sbr.rel @p1 .LBB2_4-.Ltmp5, $4  }
0x64: {  	v6 =	vld [tilespmem:s20+$0xFFFFFFD0]  }
0x65: {  	v3 =	vld [tilespmem:s23+$0xFFFFFFF0];
	[tilespmem:s18+$0xFFFFFFE0] =	vst v5  }
0x66: {  	v8 =	vadd.f32 v7, v4;
	v4 =	vld [tilespmem:s21+$0xFFFFFFF0];
	s21 =	smov.u32 s20  }
0x67: {  	s23 =	sadd.s32 $0x80, s23;
	v5 =	vld [tilespmem:s19+$0x20];
	v7 =	vadd.f32 v10, v9  }
0x68: {  	_ = 	snop  }
0x69: {  	v2 =	vadd.f32 v6, v2  }
0x6a: {  	[tilespmem:s19+$0x10] =	vst v8  }
0x6b: {  	v6 =	vld [tilespmem:s21+$0x20];
	[tilespmem:s19+$0xFFFFFFD0] =	vst v2  }
0x6c: {  	v2 =	vld [tilespmem:s21+$0xFFFFFFE0];
	_ =	sdelay $0x3  }
0x6d: {  	v5 =	vadd.f32 v6, v5  }
0x6e: {  	v1 =	vadd.f32 v2, v1  }
0x6f: {  	v6 =	vld [tilespmem:s19+$0x30];
	[tilespmem:s19+$0x20] =	vst v5  }
0x70: {  	v2 =	vld [tilespmem:s21+$0x30];
	[tilespmem:s19+$0xFFFFFFE0] =	vst v1  }
0x71: {  	v1 =	vld [tilespmem:s21+$0xFFFFFFF0];
	_ =	sdelay $0x2  }
0x72: {  	v0 =	vadd.f32 v4, v0  }
0x73: {  	[tilespmem:s18+$0x30] =	vst v7;
	v2 =	vadd.f32 v2, v6  }
0x74: {  	[tilespmem:s18+$0xFFFFFFF0] =	vst v0;
	v0 =	vadd.f32 v1, v3  }
0x75: {  	[tilespmem:s19+$0x30] =	vst v2  }
0x76: {  	[tilespmem:s19+$0xFFFFFFF0] =	vst v0  }
0x77: {  	v0 =	vld [tilespmem:s15+$0xFFFFFFD0]  }
0x78: {  	v1 =	vld [tilespmem:s17+$0x0];
	_ =	sdelay $0x1  }
0x79: {  	v2 =	vld [tilespmem:s17+$0xFFFFFFC0]  }
0x7a: {  	v3 =	vld [tilespmem:s15+$0xFFFFFF90];
	_ =	sdelay $0x1  }
0x7b: {  	v0 =	vadd.f32 v1, v0;
	_ =	sdelay $0x1  }
0x7c: {  	[tilespmem:s15+$0xFFFFFFD0] =	vst v0;
	v0 =	vld [tilespmem:s15+$0xFFFFFFE0]  }
0x7d: {  	v1 =	vadd.f32 v2, v3;
	v2 =	vld [tilespmem:s17+$0x10]  }
0x7e: {  	v4 =	vld [tilespmem:s15+$0xFFFFFFB0]  }
0x7f: {  	v5 =	vld [tilespmem:s15+$0xFFFFFFF0]  }
0x80: {  	v3 =	vld [tilespmem:s15+$0xFFFFFFA0];
	[tilespmem:s15+$0xFFFFFF90] =	vst v1  }
0x81: {  	s18 =	sadd.s32 $0x80, s15;
	v1 =	vld [tilespmem:s17+$0xFFFFFFD0]  }
0x82: {  	s19 =	simm.s32 $0x12CC0;
	v6 =	vld [tilespmem:s18+$0xFFFFFFD0];
	v0 =	vadd.f32 v2, v0  }
0x83: {  	v7 =	vld [tilespmem:s19+$0x0]  }
0x84: {  	v9 =	vld [tilespmem:s19+$0xFFFFFFC0];
	[tilespmem:s15+$0xFFFFFFE0] =	vst v0  }
0x85: {  	v8 =	vld [tilespmem:s17+$0x20]  }
0x86: {  	v1 =	vadd.f32 v1, v3;
	v3 =	vld [tilespmem:s18+$0xFFFFFF90]  }
0x87: {  	v2 =	vld [tilespmem:s18+$0xFFFFFFA0]  }
0x88: {  	v0 =	vld [tilespmem:s15+$0xFFFFFFC0];
	[tilespmem:s15+$0xFFFFFFA0] =	vst v1;
	v1 =	vadd.f32 v7, v6  }
0x89: {  	v6 =	vld [tilespmem:s17+$0xFFFFFFE0]  }
0x8a: {  	v7 =	vld [tilespmem:s15+$0x0];
	[tilespmem:s18+$0xFFFFFFD0] =	vst v1;
	v5 =	vadd.f32 v8, v5  }
0x8b: {  	v1 =	vadd.f32 v9, v3;
	v9 =	vld [tilespmem:s19+$0x10]  }
0x8c: {  	v8 =	vld [tilespmem:s18+$0xFFFFFFE0];
	[tilespmem:s15+$0xFFFFFFF0] =	vst v5  }
0x8d: {  	v10 =	vld [tilespmem:s17+$0x30]  }
0x8e: {  	v3 =	vld [tilespmem:s18+$0xFFFFFFC0];
	[tilespmem:s18+$0xFFFFFF90] =	vst v1;
	v4 =	vadd.f32 v6, v4  }
0x8f: {  	v6 =	vld [tilespmem:s19+$0xFFFFFFD0]  }
0x90: {  	v1 =	vld [tilespmem:s18+$0xFFFFFFB0];
	[tilespmem:s15+$0xFFFFFFB0] =	vst v4  }
0x91: {  	v4 =	vld [tilespmem:s17+$0xFFFFFFF0];
	v8 =	vadd.f32 v9, v8  }
0x92: {  	s20 =	simm.s32 $0x2;
	s21 =	sadd.s32 $0x80, s18;
	v5 =	vld [tilespmem:s18+$0xFFFFFFF0];
	s17 =	simm.s32 $0x12CC0;
	v7 =	vadd.f32 v10, v7  }
.LBB2_6:
0x93: {  	v9 =	vld [tilespmem:s21+$0xFFFFFFD0];
	[tilespmem:s18+$0xFFFFFFE0] =	vst v8;
	s19 =	sadd.s32 $0x80, s19  }
0x94: {  	v8 =	vld [tilespmem:s19+$0x0];
	v2 =	vadd.f32 v6, v2;
	[tilespmem:s15+$0x0] =	vst v7  }
0x95: {  	s20 =	sadd.s32 $0x2, s20;
	v6 =	vld [tilespmem:s17+$0x20]  }
0x96: {  	p1 =	slt.u32 s20, $0xC6;
	v7 =	vld [tilespmem:s19+$0xFFFFFFC0];
	[tilespmem:s18+$0xFFFFFFA0] =	vst v2;
	v4 =	vadd.f32 v4, v0;
	v0 =	vmov v3  }
0x97: {  	v3 =	vld [tilespmem:s21+$0xFFFFFF90]  }
0x98: {  	v2 =	vld [tilespmem:s21+$0xFFFFFFA0];
	[tilespmem:s15+$0xFFFFFFC0] =	vst v4;
	s15 =	smov.u32 s18;
	s18 =	smov.u32 s21  }
0x99: {  	v4 =	vadd.f32 v8, v9;
	v8 =	vld [tilespmem:s17+$0xFFFFFFE0]  }
0x9a: {  	v5 =	vadd.f32 v6, v5;
	v9 =	vld [tilespmem:s15+$0x0]  }
0x9b: {  	[tilespmem:s21+$0xFFFFFFD0] =	vst v4;
	v4 =	vld [tilespmem:s21+$0xFFFFFFE0]  }
0x9c: {  	v3 =	vadd.f32 v7, v3;
	v7 =	vld [tilespmem:s19+$0x10];
	[tilespmem:s15+$0xFFFFFFF0] =	vst v5  }
0x9d: {  	v10 =	vld [tilespmem:s17+$0x30]  }
.Ltmp6:
0x9e: {  	[tilespmem:s21+$0xFFFFFF90] =	vst v3;
	v5 =	vadd.f32 v8, v1;
	v1 =	vld [tilespmem:s21+$0xFFFFFFB0];
	(pc) =	sbr.rel @p1 .LBB2_6-.Ltmp6, $4  }
0x9f: {  	v6 =	vld [tilespmem:s19+$0xFFFFFFD0]  }
0xa0: {  	v3 =	vld [tilespmem:s21+$0xFFFFFFC0];
	[tilespmem:s15+$0xFFFFFFB0] =	vst v5  }
0xa1: {  	v8 =	vadd.f32 v7, v4;
	v4 =	vld [tilespmem:s17+$0xFFFFFFF0];
	s17 =	smov.u32 s19  }
0xa2: {  	s21 =	sadd.s32 $0x80, s21;
	v5 =	vld [tilespmem:s18+$0xFFFFFFF0];
	v7 =	vadd.f32 v10, v9  }
0xa3: {  	_ = 	snop  }
0xa4: {  	v2 =	vadd.f32 v6, v2  }
0xa5: {  	[tilespmem:s18+$0xFFFFFFE0] =	vst v8  }
0xa6: {  	v60 =	vld [tilespmem:s17+$0x20];
	[tilespmem:s18+$0xFFFFFFA0] =	vst v2  }
0xa7: {  	v2 =	vld [tilespmem:s17+$0xFFFFFFE0];
	_ =	sdelay $0x3  }
0xa8: {  	v5 =	vadd.f32 v60, v5  }
0xa9: {  	v1 =	vadd.f32 v2, v1  }
0xaa: {  	v61 =	vld [tilespmem:s18+$0x0];
	[tilespmem:s18+$0xFFFFFFF0] =	vst v5  }
0xab: {  	v62 =	vld [tilespmem:s17+$0x30];
	[tilespmem:s18+$0xFFFFFFB0] =	vst v1  }
0xac: {  	v1 =	vld [tilespmem:s17+$0xFFFFFFF0];
	_ =	sdelay $0x2  }
0xad: {  	s30 =	sshll.u32 s14, $0x1;
	s16 =	smul.u32 $0x19000, s16;
	v0 =	vadd.f32 v4, v0  }
.Ltmp7:
0xae: {  	[tilespmem:s15+$0x0] =	vst v7;
	s17 =	sadd.s32 s30, s7;
	v2 =	vadd.f32 v62, v61;
	(pc) =	sbr.rel .LBB2_8-.Ltmp7, $4  }
0xaf: {  	[tilespmem:s15+$0xFFFFFFC0] =	vst v0;
	s31 =	smul.u32 $0x640, s17;
	v63 =	vadd.f32 v1, v3  }
0xb0: {  	s16 =	sshrl.u32 s16, $0x2;
	[tilespmem:s18+$0x0] =	vst v2  }
0xb1: {  	s16 =	sadd.s32 $0x6400, s16;
	s15 =	sadd.s32 s2, s31;
	[tilespmem:s18+$0xFFFFFFC0] =	vst v63  }
0xb2: {  	[hbm4b:s15+s3] =	stream.linear.scatter [tilespmem:s16], [sflag:$0x2], $0x6400, $0x38;
	[tilespmem:$0x15E00] =	vst v63  }
.LBB2_10:
0xb3: {  	_ =	sfence.sel $0x180000  }
0xb4: {  	[bflag:$0x0] =	sbarrier.arrive $0xFFFF  }
0xb5: {  	p0 =	sne.s32 s0, $0x0;
	_ =	strace $0x90000047  }
0xb6: {  	s0 =	sadd.s32 @!p0 $0x100000, s1;
	[bflag:$0x2] =	sbarrier.arrive $0xFFFF  }
0xb7: {  	[sflag:s0] =	ssyncadd.tile.s32 @!p0 $0x1;
	_ =	shalt  }
.Lfunc_end2:
_tile_overlayer_lowered:
.L_overlay_start_2:
0xb8: {  	(tag) =	ssettag $0x2  }
0xb9: {  	s0 =	rddreg [dreg:$0x0];
	s2 =	stileid.u32  }
0xba: {  	s1 =	rddreg [dreg:$0x1];
	p0 =	sne.s32 s2, $0x0  }
0xbb: {  	s3 =	rddreg [dreg:$0x2];
	[bflag:$0x3] =	sbarrier.arrive $0xFFFF;
	s2 =	simm.s32 @!p0 $0x1C03  }
0xbc: {  	[timem:s3], [sflag:s2] =	dma.local @!p0 [hbm:s0], s1  }
0xbd: {  	s0 =	simm.s32 @!p0 $0x3  }
0xbe: {  	_ =	swait.ge @!p0 [sflag:s0], s1  }
0xbf: {  	s1 =	ssub.s32 @!p0 $0x0, s1;
	[sflag:s0] =	ssyncset.done @!p0 $0x0  }
0xc0: {  	[sflag:s0] =	ssyncadd.s32 @!p0 s1  }
0xc1: {  	[bflag:$0x3] =	sbarrier.arrive $0xFFFF  }
0xc2: {  	_ =	shalt  }

// kernel: sparse-core-data-format-call.cloned.1.call-start
scs
called_computation_lowered:
.L_overlay_start_0:
0x0: {  	s2 =	sld [smem:$0x3FD9]  }
0x1: {  	s3 =	sld [smem:$0x3FFE];
	_ =	sdelay $0x1  }
0x2: {  	s1 =	srdreg.scid  }
0x3: {  	s0 =	sand.u32 $0x1, s1  }
0x4: {  	s18 =	sshll.u32 s0, $0xA;
	s2 =	sadd.s32 s3, s2  }
0x5: {  	s2 =	sadd.s32 s2, s18  }
0x6: {  	[smem:$0x3FC6] =	sst s2  }
0x7: {  	_ = 	snop  }
0x8: {  	s2 =	sld [smem:$0x3FD0];
	(tm) =	ssettm $0x1  }
0x9: {  	s19 =	sld [smem:$0x3FFB];
	_ =	sdelay $0x3  }
0xa: {  	_ =	strace s19  }
0xb: {  	s3 =	sld [smem:$0x3FFC];
	_ =	sdelay $0x3  }
0xc: {  	_ =	strace s3  }
0xd: {  	s3 =	sld [smem:$0x3FFD];
	_ =	sdelay $0x3  }
0xe: {  	_ =	strace s3  }
0xf: {  	_ =	strace $0x8FFFFFFF  }
0x10: {  	s20 =	sld [smem:$0x3FDB];
	_ =	sdelay $0x1  }
0x11: {  	s4 =	simm.s32 $_scs_section_size  }
0x12: {  	s5 =	simm.s32 $_size__tile_overlayer_lowered;
	s6 =	simm.s32 $_tile_overlayer_lowered  }
0x13: {  	s23 =	simm.s32 $0x1BFF;
	s22 =	sshll.u32 s6, $0x1;
	s3 =	sadd.s32 s4, s20  }
0x14: {  	s7 =	simm.s32 $0x0;
	s21 =	sshll.u32 s5, $0x1;
	s5 =	sadd.s32 s22, s3  }
0x15: {  	[timem:s7], [sflag:s23] =	dma.local [hbm:s5], s21  }
0x16: {  	_ =	swait.ge [sflag:s23], s21  }
0x17: {  	s4 =	ssub.s32 $0x0, s21;
	[sflag:s23] =	ssyncset.done $0x0  }
0x18: {  	[sflag:s23] =	ssyncadd.s32 s4;
	_ =	sdelay $0x1  }
0x19: {  	s24 =	simm.s32 $0x1B8B  }
0x1a: {  	_ =	swait.ge [sflag:s24], $0x1  }
0x1b: {  	[sflag:s24] =	ssyncset.done $0x0  }
0x1c: {  	s26 =	simm.s32 $0x1B8E;
	s25 =	sld [smem:$0x3FFE];
	[sflag:s24] =	ssyncadd.s32 $0xFFFFFFFF  }
0x1d: {  	s27 =	simm.s32 $execute0_lowered;
	[smem:$0x3FD2] =	sst s26  }
0x1e: {  	s5 =	sshll.u32 s27, $0x1;
	_ =	strace $0x80000049;
	[dreg:$0x1] =	wrdreg $0xFFFFFFFF  }
0x1f: {  	s28 =	simm.s32 $_size_execute0_lowered;
	s3 =	sadd.s32 s3, s5;
	[dreg:$0x0] =	wrdreg $0x0  }
0x20: {  	s5 =	sshll.u32 s28, $0x1;
	[dreg:$0x2] =	wrdreg s3  }
0x21: {  	[dreg:$0x3] =	wrdreg s5  }
0x22: {  	[dreg:$0x4] =	wrdreg $0xC0  }
0x23: {  	_ =	task [dreg:s7], $0x5FFFF  }
0x24: {  	[dreg:$0x1] =	wrdreg $0xFFFFFFFF  }
0x25: {  	[dreg:$0x0] =	wrdreg $0x60  }
0x26: {  	[dreg:$0x2] =	wrdreg s25  }
0x27: {  	[dreg:$0x3] =	wrdreg s2  }
0x28: {  	[dreg:$0x4] =	wrdreg $0x9  }
0x29: {  	_ =	task.clear_ibuf [dreg:s7], $0x5FFFF;
	_ =	strace $0x90000049  }
0x2a: {  	s29 =	simm.s32 $0x9;
	_ =	strace $0x8000004B  }
0x2b: {  	_ =	swait.ge [sflag:s29], $0x1  }
0x2c: {  	[sflag:s29] =	ssyncadd.s32 $0xFFFFFFFF  }
0x2d: {  	_ =	strace $0x9000004B  }
0x2e: {  	_ =	sfence  }
0x2f: {  	s30 =	sld [smem:$0x0];
	_ =	sdelay $0x2  }
0x30: {  	s31 =	sshll.u32 s1, $0xD;
	s1 =	sshrl.u32 s1, $0x2  }
0x31: {  	s3 =	sand.u32 $0x4000, s31;
	s1 =	sadd.s32 s1, s30  }
0x32: {  	s0 =	sor.u32 s3, s0;
	s1 =	sshll.u32 s1, $0x11  }
0x33: {  	s0 =	sor.u32 s1, s0  }
0x34: {  	s0 =	sadd.s32 $0x8F2B, s0  }
0x35: {  	[sflag:s0] =	ssyncadd.remote.s32 $0x1  }
0x36: {  	_ =	sfence.sel $0xFFFF  }
0x37: {  	[dreg:$0x0] =	wrdreg $0xFFFFFFFF;
	(pc) =	sbr.abs _section_cstart, $3  }
0x38: {  	[dreg:$0x1] =	wrdreg $0xFFFFFFFF  }
0x39: {  	_ =	task.clear_ibuf [dreg:s7], $0x2FFFF;
	_ =	strace $0x9FFFFFFF  }
0x3a: {  	(tm) =	ssettm $0x7FFFFFFF  }
0x3b: {  	_ =	shalt  }
tec
execute0_lowered:
.L_overlay_start_1:
0x0: {  	(tag) =	ssettag $0x1  }
0x1: {  	s0 =	srdreg.scid  }
0x2: {  	s1 =	sshll.u32 s0, $0x4  }
0x3: {  	s0 =	stileid.u32;
	s1 =	sand.u32 $0x10, s1  }
0x4: {  	s1 =	sor.u32 s0, s1  }
0x5: {  	s6 =	rddreg [dreg:$0x0];
	s4 =	simm.s32 $0x1;
	s2 =	sshll.u32 s1, $0x7  }
0x6: {  	s7 =	simm.s32 $0x2;
	s12 =	simm.s32 $0x0;
	s1 =	ssub.s32 $0x1000, s2  }
0x7: {  	s8 =	simm.s32 $0x8000;
	s13 =	simm.s32 $0x0;
	s3 =	sand.u32 $0xF80, s1  }
0x8: {  	s9 =	simm.s32 $0x0;
	s5 =	sshrl.u32 s1, $0xC;
	p0 =	sne.s32 s3, $0x0  }
.Ltmp0:
0x9: {  	s1 =	rddreg [dreg:$0x2];
	s4 =	simm.s32 @!p0 $0x0;
	(pc) =	sbr.rel .LBB1_1-.Ltmp0, $4  }
0xa: {  	s11 =	simm.s32 $0x0;
	s3 =	rddreg [dreg:$0x1];
	s5 =	sadd.s32 s4, s5  }
0xb: {  	_ =	strace $0x8000004A;
	s4 =	simm.s32 $0x1;
	s5 =	smul.u32 $0xC8, s5  }
0xc: {  	s6 =	sadd.s32 $0xC00, s6;
	s10 =	smov.u32 s2;
	[sflag:s4] =	ssyncpa.u1 $0x0  }
0xd: {  	p0 =	por $0x0, $0x0;
	[sflag:s7] =	ssyncpa.u1 $0x0;
	s7 =	sor.u32 $0x1, s5  }
.LBB1_4:
0xe: {  	s16 =	sshll.u32 s13, $0x3;
	s17 =	sand.u32 $0x78, s13  }
0xf: {  	s30 =	sand.u32 $0x7E00, s13;
	s12 =	sshll.u32 s12, $0xF;
	s16 =	sand.u32 $0xC00, s16  }
0x10: {  	[tilespmem:s15+$0x810 ss:$0x81] =	vst.msk $0xffff, v2;
	s31 =	sand.u32 $0x7, s13;
	s16 =	sor.u32 s17, s16;
	s17 =	sadd.s32 s3, s30  }
0x11: {  	[tilespmem:s15+$0x1020 ss:$0x81] =	vst.msk $0xffff, v0;
	s13 =	sshll.u32 s31, $0x12;
	s12 =	sadd.s32 s12, s17;
	s16 =	sshrl.u32 s16, $0x3  }
0x12: {  	[tilespmem:s15+$0x0 ss:$0x81] =	vst.msk $0xffff, v1;
	s13 =	sor.u32 $0x400, s13;
	s12 =	sadd.s32 s16, s12  }
0x13: {  	[hbm4b:s12+s13] =	stream.strided.scatter [tilespmem:s14], [sflag:$0x2], $0x2000, s8, s13, $0x20;
	[tilespmem:$0x8080] =	vst v63  }
.LBB1_5:
0x14: {  	s14 =	sadd.s32 $0x1, s9  }
0x15: {  	s12 =	sadd.s32 $0x1000, s10;
	s16 =	smov.u32 s10;
	p2 =	sgt.s32 s14, $0xC7  }
0x16: {  	s16 =	smov.u32 @p2 s12  }
0x17: {  	s14 =	simm.s32 @p2 $0x0;
	p2 =	sgt.s32 s16, $0xFFF  }
0x18: {  	s16 =	smov.u32 @p2 s2;
	p2 =	sne.s32 s11, s7  }
.Ltmp1:
0x19: {  	p1 =	slt.u32 s11, $0x2;
	(pc) =	sbr.rel @!p2 .LBB1_6-.Ltmp1, $4  }
0x1a: {  	s15 =	simm.s32 @!p1 $0x2  }
0x1b: {  	s13 =	smov.u32 s10;
	p0 =	por !p0, !p0;
	_ =	swait.ge @!p1 [sflag:s15], $0x2000  }
0x1c: {  	s12 =	smov.u32 s9;
	[sflag:s15] =	ssyncset.done @!p1 $0x0;
	s9 =	smov.u32 s14  }
0x1d: {  	s11 =	sadd.s32 $0x1, s11;
	[sflag:s15] =	ssyncadd.s32 @!p1 $0xFFFFE000;
	s10 =	smov.u32 s16  }
.LBB1_1:
0x1e: {  	p1 =	sge.u32 s11, s5  }
0x1f: {  	s14 =	sand.u32 @!p1 $0x1FFFFFF, s9  }
0x20: {  	s15 =	smulhi.u32 @!p1 $0x147AE15, s14;
	_ =	sdelay $0x1  }
0x21: {  	s15 =	smul.u32 @!p1 $0xC8, s15  }
0x22: {  	s16 =	sxor.u32 @!p1 $0xFFFFFFFF, s11;
	s17 =	smul.u32 @!p1 $0xC80, s10  }
0x23: {  	s31 =	sadd.s32 $0xFFFFFFFF, s11;
	s16 =	sshll.u32 @!p1 s16, $0xD;
	s14 =	ssub.s32 @!p1 s14, s15  }
0x24: {  	s15 =	sand.u32 @!p1 $0x2000, s16;
	s16 =	sadd.s32 @!p1 s6, s17;
	s14 =	sshll.u32 @!p1 s14, $0x4  }
0x25: {  	s17 =	simm.s32 @!p1 $0x6400;
	s14 =	sadd.s32 @!p1 s14, s16;
	s16 =	simm.s32 @!p1 $0x40  }
0x26: {  	[tilespmem:s15], [sflag:$0x1] =	stream.strided.gather @!p1 [hbm4b:s14+s16], $0x2000, s17, s16, $0x38;
	[tilespmem:$0x8080] =	vst v63  }
0x27: {  	p1 =	sge.u32 s31, s5  }
.Ltmp2:
0x28: {  	_ = 	snop;
	(pc) =	sbr.rel @p1 .LBB1_5-.Ltmp2, $1  }
0x29: {  	_ =	sdelay $0x3  }
0x2a: {  	s14 =	simm.s32 $0x1  }
0x2b: {  	_ =	swait.ge [sflag:s4], $0x2000;
	s14 =	simm.s32 @!p0 $0x0  }
0x2c: {  	[sflag:s4] =	ssyncset.done $0x0;
	s15 =	sshll.u32 s14, $0xD  }
0x2d: {  	[sflag:s4] =	ssyncadd.s32 $0xFFFFE000;
	s18 =	sor.u32 $0x20, s15  }
0x2e: {  	s14 =	smul.u32 $0x8100, s14;
	v3 =	vld [tilespmem:s18+$0x10]  }
0x2f: {  	s30 =	sand.u32 $0x1, s11;
	v2 =	vld [tilespmem:s18+$0xFFFFFFF0]  }
0x30: {  	s15 =	smul.u32 $0x8100, s30;
	s14 =	sshrl.u32 s14, $0x2;
	v0 =	vld [tilespmem:s18+$0x0]  }
0x31: {  	v1 =	vld [tilespmem:s18+$0xFFFFFFE0];
	s16 =	sor.u32 $0x4000, s14  }
0x32: {  	s31 =	sshrl.u32 s15, $0x2;
	s15 =	sadd.s32 $0x0, s16  }
0x33: {  	s17 =	simm.s32 $0x4;
	s18 =	sadd.s32 $0x40, s18;
	s14 =	sor.u32 $0x4000, s31;
	[tilespmem:s15+$0x1830 ss:$0x81] =	vst.msk $0xffff, v3  }
.LBB1_3:
0x34: {  	v3 =	vld [tilespmem:s18+$0x10];
	p1 =	sne.s32 s17, $0x1FC;
	[tilespmem:s15+$0x810 ss:$0x81] =	vst.msk $0xffff, v2;
	s19 =	smov.u32 s17;
	s17 =	sadd.s32 $0x4, s17  }
.Ltmp3:
0x35: {  	v2 =	vld [tilespmem:s18+$0xFFFFFFF0];
	[tilespmem:s15+$0x1020 ss:$0x81] =	vst.msk $0xffff, v0;
	(pc) =	sbr.rel @p1 .LBB1_3-.Ltmp3, $4  }
0x36: {  	v0 =	vld [tilespmem:s18+$0x0];
	[tilespmem:s15+$0x0 ss:$0x81] =	vst.msk $0xffff, v1  }
0x37: {  	s15 =	sshra.s32 s19, $0x2;
	v1 =	vld [tilespmem:s18+$0xFFFFFFE0]  }
0x38: {  	s15 =	sadd.s32 s15, s16  }
0x39: {  	s18 =	sadd.s32 $0x40, s18;
	[tilespmem:s15+$0x1830 ss:$0x81] =	vst.msk $0xffff, v3  }
.Ltmp4:
0x3a: {  	_ = 	snop;
	(pc) =	sbr.rel .LBB1_4-.Ltmp4, $1  }
0x3b: {  	_ =	sdelay $0x3  }
.LBB1_6:
0x3c: {  	_ =	sfence.sel $0x180000  }
0x3d: {  	s2 =	simm.s32 $0x1;
	[bflag:$0x0] =	sbarrier.arrive $0xFFFF  }
0x3e: {  	s31 =	simm.s32 $0x2;
	[sflag:s2] =	ssyncpa.u1 $0x1  }
0x3f: {  	[sflag:s31] =	ssyncpa.u1 $0x1  }
0x40: {  	p0 =	sne.s32 s0, $0x0;
	_ =	strace $0x9000004A  }
0x41: {  	s0 =	sadd.s32 @!p0 $0x100000, s1;
	[bflag:$0x2] =	sbarrier.arrive $0xFFFF  }
0x42: {  	[sflag:s0] =	ssyncadd.tile.s32 @!p0 $0x1;
	_ =	shalt  }
.Lfunc_end1:
_tile_overlayer_lowered:
.L_overlay_start_2:
0x43: {  	(tag) =	ssettag $0x2  }
0x44: {  	s0 =	rddreg [dreg:$0x0];
	s2 =	stileid.u32  }
0x45: {  	s1 =	rddreg [dreg:$0x1];
	p0 =	sne.s32 s2, $0x0  }
0x46: {  	s3 =	rddreg [dreg:$0x2];
	[bflag:$0x3] =	sbarrier.arrive $0xFFFF;
	s2 =	simm.s32 @!p0 $0x1C01  }
0x47: {  	[timem:s3], [sflag:s2] =	dma.local @!p0 [hbm:s0], s1  }
0x48: {  	s0 =	simm.s32 @!p0 $0x1  }
0x49: {  	_ =	swait.ge @!p0 [sflag:s0], s1  }
0x4a: {  	s1 =	ssub.s32 @!p0 $0x0, s1;
	[sflag:s0] =	ssyncset.done @!p0 $0x0  }
0x4b: {  	[sflag:s0] =	ssyncadd.s32 @!p0 s1  }
0x4c: {  	[bflag:$0x3] =	sbarrier.arrive $0xFFFF  }
0x4d: {  	_ =	shalt  }

</sc_bundles>
